<compile_context>
chip_gen: v7x
topology: tpu7x:2x2x1
jax: 0.10.2.dev20260603
libtpu: 0.0.44.dev20260713+nightly
codegen_flags: <defaults>
</compile_context>

<pallas_src>
import functools

import jax
import jax.numpy as jnp
from jax import lax
from jax.experimental import pallas as pl
from jax.experimental.pallas import tpu as pltpu
from jax.experimental.pallas import tpu_sc as plsc

EDGE_LENGTH = 0.01
FILTER_K = 32
CENTER_N = 4096
OUT_CH = 32
HIDDEN = 16
ROW_D = 4
CHUNK_W = 8

CB = 256
CB3 = 1024
CB2 = 512


def _dist_prune_kernel(pts_ref, ctr_ref, d2_ref, cidx_ref, n_ref, cm_ref,
                       *, n_points, k_sel):
    pts = pts_ref[0]
    coords = pts[:, :3]
    ccoords = ctr_ref[0][:, :3]
    nrows = ccoords.shape[0]
    nchunk = n_points // CHUNK_W

    c2 = jnp.sum(ccoords * ccoords, axis=1, keepdims=True)
    p2 = jnp.sum(coords * coords, axis=1)[None, :]
    dot = lax.dot_general(
        ccoords, coords, (((1,), (1,)), ((), ())),
        preferred_element_type=jnp.float32)
    d2 = c2 + p2 - 2.0 * dot
    d2_ref[...] = d2.reshape(-1)

    cm = d2[:, :nchunk]
    for j in range(1, CHUNK_W):
        cm = jnp.minimum(cm, d2[:, j * nchunk:(j + 1) * nchunk])
    cm_ref[...] = cm

    ciota = lax.broadcasted_iota(jnp.int32, (nrows, nchunk), 1)
    klane = lax.broadcasted_iota(jnp.int32, (nrows, k_sel), 1)

    def body(k, carry):
        i, cids = carry
        c = jnp.where(ciota == i, jnp.inf, cm_ref[...])
        cm_ref[...] = c
        m2 = jnp.min(c, axis=1, keepdims=True)
        i2 = jnp.min(jnp.where(c == m2, ciota, nchunk),
                     axis=1, keepdims=True)
        cids = jnp.where(klane == k, i2, cids)
        return i2, cids

    i0 = jnp.full((nrows, 1), -1, dtype=jnp.int32)
    c0 = jnp.zeros((nrows, k_sel), dtype=jnp.int32)
    _, cids = lax.fori_loop(0, k_sel, body, (i0, c0))

    cand_n = jnp.concatenate(
        [cids + j * nchunk for j in range(CHUNK_W)], axis=1)
    row = lax.broadcasted_iota(jnp.int32, (nrows, 1), 0)
    gid = (pl.program_id(0) * (CENTER_N // nrows) * nrows
           + pl.program_id(1) * nrows + row)
    cidx_ref[0] = gid * n_points + cand_n
    n_ref[0] = cand_n


def _topk_kernel(v_ref, n_ref, idx_ref, *, n_points, k_sel):
    v = v_ref[0]
    narr = n_ref[0]
    nrows = v.shape[0]
    lane = lax.broadcasted_iota(jnp.int32, (nrows, k_sel * ROW_D), 1)
    base = pl.program_id(0) * n_points

    def body(k, carry):
        m, i, idxs = carry
        live = (v > m) | ((v == m) & (narr > i))
        vm = jnp.where(live, v, jnp.inf)
        m2 = jnp.min(vm, axis=1, keepdims=True)
        n2 = jnp.min(jnp.where(vm == m2, narr, n_points),
                     axis=1, keepdims=True)
        elem = (n2 + base) * ROW_D + (lane & (ROW_D - 1))
        idxs = jnp.where((lane // ROW_D) == k, elem, idxs)
        return m2, n2, idxs

    m0 = jnp.full((nrows, 1), -jnp.inf, dtype=jnp.float32)
    i0 = jnp.full((nrows, 1), -1, dtype=jnp.int32)
    idx0 = jnp.zeros((nrows, k_sel * ROW_D), dtype=jnp.int32)
    _, _, idxs = lax.fori_loop(0, k_sel, body, (m0, i0, idx0))
    idx_ref[0] = idxs


def _mlp_kernel(nbr_ref, ctr_ref, W1_ref, b1_ref, W2_ref, b2_ref, bias_ref,
                out_ref, *, k_sel):
    nrows = ctr_ref.shape[1]
    nbr = nbr_ref[0]
    ctr = ctr_ref[0][:, :3]

    nbr3 = nbr[:, :3].reshape(nrows, k_sel, 3)
    rel = (nbr3 - ctr[:, None, :]) / EDGE_LENGTH
    rel = rel.reshape(nrows * k_sel, 3)
    h = jax.nn.relu(
        lax.dot_general(rel.astype(jnp.bfloat16),
                        W1_ref[...].astype(jnp.bfloat16),
                        (((1,), (0,)), ((), ())),
                        preferred_element_type=jnp.float32) + b1_ref[0])
    w = lax.dot_general(
        h.astype(jnp.bfloat16), W2_ref[...].astype(jnp.bfloat16),
        (((1,), (0,)), ((), ())),
        preferred_element_type=jnp.float32) + b2_ref[0]
    w = w * nbr[:, 3:4]
    acc = jnp.sum(w.reshape(nrows, k_sel, OUT_CH), axis=1)
    out_ref[0] = acc / k_sel + bias_ref[0]


def _sc_gather(table_flat, idx_flat):
    info = plsc.get_sparse_core_info()
    nw = info.num_cores * info.num_subcores
    btot = idx_flat.shape[0]
    b_per_w = btot // nw
    chunk = min(b_per_w, 4096)
    nchunk = b_per_w // chunk
    mesh = plsc.VectorSubcoreMesh(core_axis_name="c", subcore_axis_name="s")

    @functools.partial(
        pl.kernel, mesh=mesh,
        out_type=jax.ShapeDtypeStruct((btot,), jnp.float32),
        scratch_types=[
            pltpu.VMEM((chunk,), jnp.int32),
            pltpu.VMEM((chunk,), jnp.float32),
            pltpu.SemaphoreType.DMA,
        ],
    )
    def gather_k(table_hbm, idx_hbm, out_hbm, idx_v, vals_v, sem):
        wid = lax.axis_index("s") * info.num_cores + lax.axis_index("c")
        base = wid * b_per_w
        for ci in range(nchunk):
            off = base + ci * chunk
            pltpu.sync_copy(idx_hbm.at[pl.ds(off, chunk)], idx_v)
            pltpu.async_copy(table_hbm.at[idx_v], vals_v, sem).wait()
            pltpu.sync_copy(vals_v, out_hbm.at[pl.ds(off, chunk)])

    return gather_k(table_flat, idx_flat)


def kernel(points_sdf, W1, b1, W2, b2, bias):
    B, N, _ = points_sdf.shape
    centers = points_sdf[:, :CENTER_N, :]
    ncand = CHUNK_W * FILTER_K

    dp = functools.partial(_dist_prune_kernel, n_points=N, k_sel=FILTER_K)
    d2_full, cand_gidx, cand_n = pl.pallas_call(
        dp,
        grid=(B, CENTER_N // CB),
        in_specs=[
            pl.BlockSpec((1, N, 4), lambda b, j: (b, 0, 0)),
            pl.BlockSpec((1, CB, 4), lambda b, j: (b, j, 0)),
        ],
        out_specs=[
            pl.BlockSpec((CB * N,), lambda b, j: (b * (CENTER_N // CB) + j,)),
            pl.BlockSpec((1, CB, ncand), lambda b, j: (b, j, 0)),
            pl.BlockSpec((1, CB, ncand), lambda b, j: (b, j, 0)),
        ],
        out_shape=[
            jax.ShapeDtypeStruct((B * CENTER_N * N,), jnp.float32),
            jax.ShapeDtypeStruct((B, CENTER_N, ncand), jnp.int32),
            jax.ShapeDtypeStruct((B, CENTER_N, ncand), jnp.int32),
        ],
        scratch_shapes=[pltpu.VMEM((CB, N // CHUNK_W), jnp.float32)],
    )(points_sdf, centers)

    cand_vals = _sc_gather(d2_full, cand_gidx.reshape(-1))
    cand_vals = cand_vals.reshape(B, CENTER_N, ncand)

    tk = functools.partial(_topk_kernel, n_points=N, k_sel=FILTER_K)
    idx = pl.pallas_call(
        tk,
        grid=(B, CENTER_N // CB3),
        in_specs=[
            pl.BlockSpec((1, CB3, ncand), lambda b, j: (b, j, 0)),
            pl.BlockSpec((1, CB3, ncand), lambda b, j: (b, j, 0)),
        ],
        out_specs=pl.BlockSpec((1, CB3, FILTER_K * ROW_D),
                               lambda b, j: (b, j, 0)),
        out_shape=jax.ShapeDtypeStruct((B, CENTER_N, FILTER_K * ROW_D),
                                       jnp.int32),
    )(cand_vals, cand_n)

    gathered = _sc_gather(points_sdf.reshape(-1), idx.reshape(-1))
    gathered = gathered.reshape(B, CENTER_N * FILTER_K, ROW_D)

    mlp = functools.partial(_mlp_kernel, k_sel=FILTER_K)
    out = pl.pallas_call(
        mlp,
        grid=(B, CENTER_N // CB2),
        in_specs=[
            pl.BlockSpec((1, CB2 * FILTER_K, ROW_D), lambda b, j: (b, j, 0)),
            pl.BlockSpec((1, CB2, 4), lambda b, j: (b, j, 0)),
            pl.BlockSpec((3, HIDDEN), lambda b, j: (0, 0)),
            pl.BlockSpec((1, HIDDEN), lambda b, j: (0, 0)),
            pl.BlockSpec((HIDDEN, OUT_CH), lambda b, j: (0, 0)),
            pl.BlockSpec((1, OUT_CH), lambda b, j: (0, 0)),
            pl.BlockSpec((1, OUT_CH), lambda b, j: (0, 0)),
        ],
        out_specs=pl.BlockSpec((1, CB2, OUT_CH), lambda b, j: (b, j, 0)),
        out_shape=jax.ShapeDtypeStruct((B, CENTER_N, OUT_CH), jnp.float32),
    )(gathered, centers, W1, b1[None, :], W2, b2[None, :], bias[None, :])
    return out

# --- scband reference (transcript-rebuilt; emitter-appended) ---
"""Pipeline reference for scband-net-21569325761247 (READ-ONLY COPY).

The authoritative reference and input builder live on the scoring server;
editing this copy changes nothing except your own understanding.
"""

import jax, jax.numpy as jnp
import numpy as np

EDGE_LENGTH = 0.01
FILTER_K = 32
CENTER_N = 4096
IN_CH = 1
OUT_CH = 32
HIDDEN = 16


def setup_inputs(seed: int = 0) -> dict:
    key = jax.random.key(seed)
    ks = jax.random.split(key, 4)
    # points_sdf: [B, N, 4] = (x, y, z, sdf); feature_is_sdf=True -> in_channels=1 feature is the sdf value
    points_sdf = jax.random.normal(ks[0], (2, 8192, 4), dtype=jnp.float32)
    # learned continuous-kernel MLP: relative position (3) -> HIDDEN -> IN_CH*OUT_CH weights
    W1 = jax.random.normal(ks[1], (3, HIDDEN), dtype=jnp.float32) * 0.1
    b1 = jnp.zeros((HIDDEN,), dtype=jnp.float32)
    W2 = jax.random.normal(ks[2], (HIDDEN, IN_CH * OUT_CH), dtype=jnp.float32) * 0.1
    b2 = jnp.zeros((IN_CH * OUT_CH,), dtype=jnp.float32)
    bias = jnp.zeros((OUT_CH,), dtype=jnp.float32)
    return {"points_sdf": points_sdf, "W1": W1, "b1": b1, "W2": W2, "b2": b2, "bias": bias}


def _field_conv(points_sdf, W1, b1, W2, b2, bias):
    coords = points_sdf[..., :3]            # [B, N, 3]
    feats = points_sdf[..., 3:4]            # [B, N, IN_CH] (sdf feature)
    centers = coords[:, :CENTER_N, :]       # [B, C, 3] (center_number=4096 sampled centers)
    # pairwise squared distances centers vs all points
    c2 = jnp.sum(centers * centers, axis=-1, keepdims=True)            # [B, C, 1]
    p2 = jnp.sum(coords * coords, axis=-1)[:, None, :]                  # [B, 1, N]
    d2 = c2 + p2 - 2.0 * jnp.einsum('bcd,bnd->bcn', centers, coords)    # [B, C, N]
    # gather filter_sample_number=32 nearest neighbors per center
    _, idx = jax.lax.top_k(-d2, FILTER_K)                               # [B, C, K] int32
    nbr_coords = jax.vmap(lambda c, i: c[i])(coords, idx)               # [B, C, K, 3]
    nbr_feats = jax.vmap(lambda f, i: f[i])(feats, idx)                 # [B, C, K, IN_CH]
    # continuous kernel evaluated at relative positions (scaled by edge_length=0.01)
    rel = (nbr_coords - centers[:, :, None, :]) / EDGE_LENGTH           # [B, C, K, 3]
    h = jax.nn.relu(rel @ W1 + b1)                                      # [B, C, K, HIDDEN]
    w = (h @ W2 + b2)                                                   # [B, C, K, IN_CH*OUT_CH]
    w = w.reshape(w.shape[0], w.shape[1], w.shape[2], IN_CH, OUT_CH)    # [B, C, K, IN, OUT]
    out = jnp.einsum('bcki,bckio->bco', nbr_feats, w) / FILTER_K + bias # [B, C, OUT]
    return out


def reference(points_sdf, W1, b1, W2, b2, bias):
    return _field_conv(points_sdf, W1, b1, W2, b2, bias)

if __name__ == "__main__":
    import jax
    _d = setup_inputs()
    print(jax.jit(kernel)(*tuple(_d.values())))

</pallas_src>

<mosaic_0001>
#map = affine_map<(d0, d1) -> (0)>
module attributes {stable_mosaic.version = 14 : i64} {
  func.func @gather_k(%arg0: i32, %arg1: i32, %arg2: memref<67108864xf32, #tpu.memory_space<hbm>>, %arg3: memref<2097152xi32, #tpu.memory_space<hbm>>, %arg4: memref<2097152xf32, #tpu.memory_space<hbm>>, %arg5: memref<4096xi32, #tpu.memory_space<vmem>>, %arg6: memref<4096xf32, #tpu.memory_space<vmem>>, %arg7: memref<!tpu.dma_semaphore, #tpu.memory_space<semaphore_mem>>) attributes {dimension_semantics = [#tpu.dimension_semantics<core_parallel>, #tpu.dimension_semantics<subcore_parallel>], iteration_bounds = array<i64: 2, 16>, scalar_prefetch = 0 : i64, scratch_operands = 3 : i64, tpu.core_type = #tpu.core_type<sc_vector_subcore>, window_params = [{transform_indices = #map}, {transform_indices = #map}, {transform_indices = #map}]} {
    %mul3A = arith.constant 2 : i32
    %mul3A_0 = arith.muli %arg1, %mul3A : i32
    %add3A = arith.addi %mul3A_0, %arg0 : i32
    %mul3A_1 = arith.constant 65536 : i32
    %mul3A_2 = arith.muli %add3A, %mul3A_1 : i32
    %add3A_3 = arith.constant 0 : i32
    %add3A_4 = arith.addi %mul3A_2, %add3A_3 : i32
    "tpu.region"() ({
      %run_scoped3A = tpu.sem_alloc : memref<!tpu.dma_semaphore, #tpu.memory_space<semaphore_mem>>
      %dma_start3A_97 = tpu.memref_slice %arg3[%add3A_4] : memref<2097152xi32, #tpu.memory_space<hbm>> -> memref<4096xi32, #tpu.memory_space<hbm>>
      %dma_start3A_98 = tpu.memref_slice %arg3[%add3A_4] : memref<2097152xi32, #tpu.memory_space<hbm>> -> memref<4096xi32, #tpu.memory_space<hbm>>
      tpu.enqueue_dma source(%dma_start3A_98 : memref<4096xi32, #tpu.memory_space<hbm>>) target(%arg5 : memref<4096xi32, #tpu.memory_space<vmem>>) target_semaphore(%run_scoped3A : memref<!tpu.dma_semaphore, #tpu.memory_space<semaphore_mem>>)
      %dma_wait3A_99 = tpu.memref_slice %arg3[%add3A_4] : memref<2097152xi32, #tpu.memory_space<hbm>> -> memref<4096xi32, #tpu.memory_space<hbm>>
      %dma_wait3A_100 = tpu.memref_slice %arg3[%add3A_4] : memref<2097152xi32, #tpu.memory_space<hbm>> -> memref<4096xi32, #tpu.memory_space<hbm>>
      tpu.wait_dma2 semaphore(%run_scoped3A : memref<!tpu.dma_semaphore, #tpu.memory_space<semaphore_mem>>) src(%dma_wait3A_100 : memref<4096xi32, #tpu.memory_space<hbm>>) dst(%arg5 : memref<4096xi32, #tpu.memory_space<vmem>>)
      tpu.yield
    }) : () -> ()
    %dma_start3A = arith.constant 0 : i32
    %dma_start3A_5 = tpu.memref_slice %arg2[%dma_start3A] : memref<67108864xf32, #tpu.memory_space<hbm>> -> memref<67108864xf32, #tpu.memory_space<hbm>>
    tpu.enqueue_indirect_dma source(%dma_start3A_5 : memref<67108864xf32, #tpu.memory_space<hbm>>) target(%arg6 : memref<4096xf32, #tpu.memory_space<vmem>>) offsets(%arg5 : memref<4096xi32, #tpu.memory_space<vmem>>) semaphore(%arg7 : memref<!tpu.dma_semaphore, #tpu.memory_space<semaphore_mem>>)
    %dma_wait3A = arith.constant 0 : i32
    %dma_wait3A_6 = tpu.memref_slice %arg2[%dma_wait3A] : memref<67108864xf32, #tpu.memory_space<hbm>> -> memref<67108864xf32, #tpu.memory_space<hbm>>
    tpu.wait_indirect_dma semaphore(%arg7 : memref<!tpu.dma_semaphore, #tpu.memory_space<semaphore_mem>>) src(%dma_wait3A_6 : memref<67108864xf32, #tpu.memory_space<hbm>>) dst(%arg6 : memref<4096xf32, #tpu.memory_space<vmem>>)
    "tpu.region"() ({
      %run_scoped3A = tpu.sem_alloc : memref<!tpu.dma_semaphore, #tpu.memory_space<semaphore_mem>>
      %dma_start3A_97 = tpu.memref_slice %arg4[%add3A_4] : memref<2097152xf32, #tpu.memory_space<hbm>> -> memref<4096xf32, #tpu.memory_space<hbm>>
      %dma_start3A_98 = tpu.memref_slice %arg4[%add3A_4] : memref<2097152xf32, #tpu.memory_space<hbm>> -> memref<4096xf32, #tpu.memory_space<hbm>>
      tpu.enqueue_dma source(%arg6 : memref<4096xf32, #tpu.memory_space<vmem>>) target(%dma_start3A_98 : memref<4096xf32, #tpu.memory_space<hbm>>) target_semaphore(%run_scoped3A : memref<!tpu.dma_semaphore, #tpu.memory_space<semaphore_mem>>)
      %dma_wait3A_99 = tpu.memref_slice %arg4[%add3A_4] : memref<2097152xf32, #tpu.memory_space<hbm>> -> memref<4096xf32, #tpu.memory_space<hbm>>
      %dma_wait3A_100 = tpu.memref_slice %arg4[%add3A_4] : memref<2097152xf32, #tpu.memory_space<hbm>> -> memref<4096xf32, #tpu.memory_space<hbm>>
      tpu.wait_dma2 semaphore(%run_scoped3A : memref<!tpu.dma_semaphore, #tpu.memory_space<semaphore_mem>>) src(%arg6 : memref<4096xf32, #tpu.memory_space<vmem>>) dst(%dma_wait3A_100 : memref<4096xf32, #tpu.memory_space<hbm>>)
      tpu.yield
    }) : () -> ()
    %add3A_7 = arith.constant 4096 : i32
    %add3A_8 = arith.addi %mul3A_2, %add3A_7 : i32
    "tpu.region"() ({
      %run_scoped3A = tpu.sem_alloc : memref<!tpu.dma_semaphore, #tpu.memory_space<semaphore_mem>>
      %dma_start3A_97 = tpu.memref_slice %arg3[%add3A_8] : memref<2097152xi32, #tpu.memory_space<hbm>> -> memref<4096xi32, #tpu.memory_space<hbm>>
      %dma_start3A_98 = tpu.memref_slice %arg3[%add3A_8] : memref<2097152xi32, #tpu.memory_space<hbm>> -> memref<4096xi32, #tpu.memory_space<hbm>>
      tpu.enqueue_dma source(%dma_start3A_98 : memref<4096xi32, #tpu.memory_space<hbm>>) target(%arg5 : memref<4096xi32, #tpu.memory_space<vmem>>) target_semaphore(%run_scoped3A : memref<!tpu.dma_semaphore, #tpu.memory_space<semaphore_mem>>)
      %dma_wait3A_99 = tpu.memref_slice %arg3[%add3A_8] : memref<2097152xi32, #tpu.memory_space<hbm>> -> memref<4096xi32, #tpu.memory_space<hbm>>
      %dma_wait3A_100 = tpu.memref_slice %arg3[%add3A_8] : memref<2097152xi32, #tpu.memory_space<hbm>> -> memref<4096xi32, #tpu.memory_space<hbm>>
      tpu.wait_dma2 semaphore(%run_scoped3A : memref<!tpu.dma_semaphore, #tpu.memory_space<semaphore_mem>>) src(%dma_wait3A_100 : memref<4096xi32, #tpu.memory_space<hbm>>) dst(%arg5 : memref<4096xi32, #tpu.memory_space<vmem>>)
      tpu.yield
    }) : () -> ()
    %dma_start3A_9 = arith.constant 0 : i32
    %dma_start3A_10 = tpu.memref_slice %arg2[%dma_start3A_9] : memref<67108864xf32, #tpu.memory_space<hbm>> -> memref<67108864xf32, #tpu.memory_space<hbm>>
    tpu.enqueue_indirect_dma source(%dma_start3A_10 : memref<67108864xf32, #tpu.memory_space<hbm>>) target(%arg6 : memref<4096xf32, #tpu.memory_space<vmem>>) offsets(%arg5 : memref<4096xi32, #tpu.memory_space<vmem>>) semaphore(%arg7 : memref<!tpu.dma_semaphore, #tpu.memory_space<semaphore_mem>>)
    %dma_wait3A_11 = arith.constant 0 : i32
    %dma_wait3A_12 = tpu.memref_slice %arg2[%dma_wait3A_11] : memref<67108864xf32, #tpu.memory_space<hbm>> -> memref<67108864xf32, #tpu.memory_space<hbm>>
    tpu.wait_indirect_dma semaphore(%arg7 : memref<!tpu.dma_semaphore, #tpu.memory_space<semaphore_mem>>) src(%dma_wait3A_12 : memref<67108864xf32, #tpu.memory_space<hbm>>) dst(%arg6 : memref<4096xf32, #tpu.memory_space<vmem>>)
    "tpu.region"() ({
      %run_scoped3A = tpu.sem_alloc : memref<!tpu.dma_semaphore, #tpu.memory_space<semaphore_mem>>
      %dma_start3A_97 = tpu.memref_slice %arg4[%add3A_8] : memref<2097152xf32, #tpu.memory_space<hbm>> -> memref<4096xf32, #tpu.memory_space<hbm>>
      %dma_start3A_98 = tpu.memref_slice %arg4[%add3A_8] : memref<2097152xf32, #tpu.memory_space<hbm>> -> memref<4096xf32, #tpu.memory_space<hbm>>
      tpu.enqueue_dma source(%arg6 : memref<4096xf32, #tpu.memory_space<vmem>>) target(%dma_start3A_98 : memref<4096xf32, #tpu.memory_space<hbm>>) target_semaphore(%run_scoped3A : memref<!tpu.dma_semaphore, #tpu.memory_space<semaphore_mem>>)
      %dma_wait3A_99 = tpu.memref_slice %arg4[%add3A_8] : memref<2097152xf32, #tpu.memory_space<hbm>> -> memref<4096xf32, #tpu.memory_space<hbm>>
      %dma_wait3A_100 = tpu.memref_slice %arg4[%add3A_8] : memref<2097152xf32, #tpu.memory_space<hbm>> -> memref<4096xf32, #tpu.memory_space<hbm>>
      tpu.wait_dma2 semaphore(%run_scoped3A : memref<!tpu.dma_semaphore, #tpu.memory_space<semaphore_mem>>) src(%arg6 : memref<4096xf32, #tpu.memory_space<vmem>>) dst(%dma_wait3A_100 : memref<4096xf32, #tpu.memory_space<hbm>>)
      tpu.yield
    }) : () -> ()
    %add3A_13 = arith.constant 8192 : i32
    %add3A_14 = arith.addi %mul3A_2, %add3A_13 : i32
    "tpu.region"() ({
      %run_scoped3A = tpu.sem_alloc : memref<!tpu.dma_semaphore, #tpu.memory_space<semaphore_mem>>
      %dma_start3A_97 = tpu.memref_slice %arg3[%add3A_14] : memref<2097152xi32, #tpu.memory_space<hbm>> -> memref<4096xi32, #tpu.memory_space<hbm>>
      %dma_start3A_98 = tpu.memref_slice %arg3[%add3A_14] : memref<2097152xi32, #tpu.memory_space<hbm>> -> memref<4096xi32, #tpu.memory_space<hbm>>
      tpu.enqueue_dma source(%dma_start3A_98 : memref<4096xi32, #tpu.memory_space<hbm>>) target(%arg5 : memref<4096xi32, #tpu.memory_space<vmem>>) target_semaphore(%run_scoped3A : memref<!tpu.dma_semaphore, #tpu.memory_space<semaphore_mem>>)
      %dma_wait3A_99 = tpu.memref_slice %arg3[%add3A_14] : memref<2097152xi32, #tpu.memory_space<hbm>> -> memref<4096xi32, #tpu.memory_space<hbm>>
      %dma_wait3A_100 = tpu.memref_slice %arg3[%add3A_14] : memref<2097152xi32, #tpu.memory_space<hbm>> -> memref<4096xi32, #tpu.memory_space<hbm>>
      tpu.wait_dma2 semaphore(%run_scoped3A : memref<!tpu.dma_semaphore, #tpu.memory_space<semaphore_mem>>) src(%dma_wait3A_100 : memref<4096xi32, #tpu.memory_space<hbm>>) dst(%arg5 : memref<4096xi32, #tpu.memory_space<vmem>>)
      tpu.yield
    }) : () -> ()
    %dma_start3A_15 = arith.constant 0 : i32
    %dma_start3A_16 = tpu.memref_slice %arg2[%dma_start3A_15] : memref<67108864xf32, #tpu.memory_space<hbm>> -> memref<67108864xf32, #tpu.memory_space<hbm>>
    tpu.enqueue_indirect_dma source(%dma_start3A_16 : memref<67108864xf32, #tpu.memory_space<hbm>>) target(%arg6 : memref<4096xf32, #tpu.memory_space<vmem>>) offsets(%arg5 : memref<4096xi32, #tpu.memory_space<vmem>>) semaphore(%arg7 : memref<!tpu.dma_semaphore, #tpu.memory_space<semaphore_mem>>)
    %dma_wait3A_17 = arith.constant 0 : i32
    %dma_wait3A_18 = tpu.memref_slice %arg2[%dma_wait3A_17] : memref<67108864xf32, #tpu.memory_space<hbm>> -> memref<67108864xf32, #tpu.memory_space<hbm>>
    tpu.wait_indirect_dma semaphore(%arg7 : memref<!tpu.dma_semaphore, #tpu.memory_space<semaphore_mem>>) src(%dma_wait3A_18 : memref<67108864xf32, #tpu.memory_space<hbm>>) dst(%arg6 : memref<4096xf32, #tpu.memory_space<vmem>>)
    "tpu.region"() ({
      %run_scoped3A = tpu.sem_alloc : memref<!tpu.dma_semaphore, #tpu.memory_space<semaphore_mem>>
      %dma_start3A_97 = tpu.memref_slice %arg4[%add3A_14] : memref<2097152xf32, #tpu.memory_space<hbm>> -> memref<4096xf32, #tpu.memory_space<hbm>>
      %dma_start3A_98 = tpu.memref_slice %arg4[%add3A_14] : memref<2097152xf32, #tpu.memory_space<hbm>> -> memref<4096xf32, #tpu.memory_space<hbm>>
      tpu.enqueue_dma source(%arg6 : memref<4096xf32, #tpu.memory_space<vmem>>) target(%dma_start3A_98 : memref<4096xf32, #tpu.memory_space<hbm>>) target_semaphore(%run_scoped3A : memref<!tpu.dma_semaphore, #tpu.memory_space<semaphore_mem>>)
      %dma_wait3A_99 = tpu.memref_slice %arg4[%add3A_14] : memref<2097152xf32, #tpu.memory_space<hbm>> -> memref<4096xf32, #tpu.memory_space<hbm>>
      %dma_wait3A_100 = tpu.memref_slice %arg4[%add3A_14] : memref<2097152xf32, #tpu.memory_space<hbm>> -> memref<4096xf32, #tpu.memory_space<hbm>>
      tpu.wait_dma2 semaphore(%run_scoped3A : memref<!tpu.dma_semaphore, #tpu.memory_space<semaphore_mem>>) src(%arg6 : memref<4096xf32, #tpu.memory_space<vmem>>) dst(%dma_wait3A_100 : memref<4096xf32, #tpu.memory_space<hbm>>)
      tpu.yield
    }) : () -> ()
    %add3A_19 = arith.constant 12288 : i32
    %add3A_20 = arith.addi %mul3A_2, %add3A_19 : i32
    "tpu.region"() ({
      %run_scoped3A = tpu.sem_alloc : memref<!tpu.dma_semaphore, #tpu.memory_space<semaphore_mem>>
      %dma_start3A_97 = tpu.memref_slice %arg3[%add3A_20] : memref<2097152xi32, #tpu.memory_space<hbm>> -> memref<4096xi32, #tpu.memory_space<hbm>>
      %dma_start3A_98 = tpu.memref_slice %arg3[%add3A_20] : memref<2097152xi32, #tpu.memory_space<hbm>> -> memref<4096xi32, #tpu.memory_space<hbm>>
      tpu.enqueue_dma source(%dma_start3A_98 : memref<4096xi32, #tpu.memory_space<hbm>>) target(%arg5 : memref<4096xi32, #tpu.memory_space<vmem>>) target_semaphore(%run_scoped3A : memref<!tpu.dma_semaphore, #tpu.memory_space<semaphore_mem>>)
      %dma_wait3A_99 = tpu.memref_slice %arg3[%add3A_20] : memref<2097152xi32, #tpu.memory_space<hbm>> -> memref<4096xi32, #tpu.memory_space<hbm>>
      %dma_wait3A_100 = tpu.memref_slice %arg3[%add3A_20] : memref<2097152xi32, #tpu.memory_space<hbm>> -> memref<4096xi32, #tpu.memory_space<hbm>>
      tpu.wait_dma2 semaphore(%run_scoped3A : memref<!tpu.dma_semaphore, #tpu.memory_space<semaphore_mem>>) src(%dma_wait3A_100 : memref<4096xi32, #tpu.memory_space<hbm>>) dst(%arg5 : memref<4096xi32, #tpu.memory_space<vmem>>)
      tpu.yield
    }) : () -> ()
    %dma_start3A_21 = arith.constant 0 : i32
    %dma_start3A_22 = tpu.memref_slice %arg2[%dma_start3A_21] : memref<67108864xf32, #tpu.memory_space<hbm>> -> memref<67108864xf32, #tpu.memory_space<hbm>>
    tpu.enqueue_indirect_dma source(%dma_start3A_22 : memref<67108864xf32, #tpu.memory_space<hbm>>) target(%arg6 : memref<4096xf32, #tpu.memory_space<vmem>>) offsets(%arg5 : memref<4096xi32, #tpu.memory_space<vmem>>) semaphore(%arg7 : memref<!tpu.dma_semaphore, #tpu.memory_space<semaphore_mem>>)
    %dma_wait3A_23 = arith.constant 0 : i32
    %dma_wait3A_24 = tpu.memref_slice %arg2[%dma_wait3A_23] : memref<67108864xf32, #tpu.memory_space<hbm>> -> memref<67108864xf32, #tpu.memory_space<hbm>>
    tpu.wait_indirect_dma semaphore(%arg7 : memref<!tpu.dma_semaphore, #tpu.memory_space<semaphore_mem>>) src(%dma_wait3A_24 : memref<67108864xf32, #tpu.memory_space<hbm>>) dst(%arg6 : memref<4096xf32, #tpu.memory_space<vmem>>)
    "tpu.region"() ({
      %run_scoped3A = tpu.sem_alloc : memref<!tpu.dma_semaphore, #tpu.memory_space<semaphore_mem>>
      %dma_start3A_97 = tpu.memref_slice %arg4[%add3A_20] : memref<2097152xf32, #tpu.memory_space<hbm>> -> memref<4096xf32, #tpu.memory_space<hbm>>
      %dma_start3A_98 = tpu.memref_slice %arg4[%add3A_20] : memref<2097152xf32, #tpu.memory_space<hbm>> -> memref<4096xf32, #tpu.memory_space<hbm>>
      tpu.enqueue_dma source(%arg6 : memref<4096xf32, #tpu.memory_space<vmem>>) target(%dma_start3A_98 : memref<4096xf32, #tpu.memory_space<hbm>>) target_semaphore(%run_scoped3A : memref<!tpu.dma_semaphore, #tpu.memory_space<semaphore_mem>>)
      %dma_wait3A_99 = tpu.memref_slice %arg4[%add3A_20] : memref<2097152xf32, #tpu.memory_space<hbm>> -> memref<4096xf32, #tpu.memory_space<hbm>>
      %dma_wait3A_100 = tpu.memref_slice %arg4[%add3A_20] : memref<2097152xf32, #tpu.memory_space<hbm>> -> memref<4096xf32, #tpu.memory_space<hbm>>
      tpu.wait_dma2 semaphore(%run_scoped3A : memref<!tpu.dma_semaphore, #tpu.memory_space<semaphore_mem>>) src(%arg6 : memref<4096xf32, #tpu.memory_space<vmem>>) dst(%dma_wait3A_100 : memref<4096xf32, #tpu.memory_space<hbm>>)
      tpu.yield
    }) : () -> ()
    %add3A_25 = arith.constant 16384 : i32
    %add3A_26 = arith.addi %mul3A_2, %add3A_25 : i32
    "tpu.region"() ({
      %run_scoped3A = tpu.sem_alloc : memref<!tpu.dma_semaphore, #tpu.memory_space<semaphore_mem>>
      %dma_start3A_97 = tpu.memref_slice %arg3[%add3A_26] : memref<2097152xi32, #tpu.memory_space<hbm>> -> memref<4096xi32, #tpu.memory_space<hbm>>
      %dma_start3A_98 = tpu.memref_slice %arg3[%add3A_26] : memref<2097152xi32, #tpu.memory_space<hbm>> -> memref<4096xi32, #tpu.memory_space<hbm>>
      tpu.enqueue_dma source(%dma_start3A_98 : memref<4096xi32, #tpu.memory_space<hbm>>) target(%arg5 : memref<4096xi32, #tpu.memory_space<vmem>>) target_semaphore(%run_scoped3A : memref<!tpu.dma_semaphore, #tpu.memory_space<semaphore_mem>>)
      %dma_wait3A_99 = tpu.memref_slice %arg3[%add3A_26] : memref<2097152xi32, #tpu.memory_space<hbm>> -> memref<4096xi32, #tpu.memory_space<hbm>>
      %dma_wait3A_100 = tpu.memref_slice %arg3[%add3A_26] : memref<2097152xi32, #tpu.memory_space<hbm>> -> memref<4096xi32, #tpu.memory_space<hbm>>
      tpu.wait_dma2 semaphore(%run_scoped3A : memref<!tpu.dma_semaphore, #tpu.memory_space<semaphore_mem>>) src(%dma_wait3A_100 : memref<4096xi32, #tpu.memory_space<hbm>>) dst(%arg5 : memref<4096xi32, #tpu.memory_space<vmem>>)
      tpu.yield
    }) : () -> ()
    %dma_start3A_27 = arith.constant 0 : i32
    %dma_start3A_28 = tpu.memref_slice %arg2[%dma_start3A_27] : memref<67108864xf32, #tpu.memory_space<hbm>> -> memref<67108864xf32, #tpu.memory_space<hbm>>
    tpu.enqueue_indirect_dma source(%dma_start3A_28 : memref<67108864xf32, #tpu.memory_space<hbm>>) target(%arg6 : memref<4096xf32, #tpu.memory_space<vmem>>) offsets(%arg5 : memref<4096xi32, #tpu.memory_space<vmem>>) semaphore(%arg7 : memref<!tpu.dma_semaphore, #tpu.memory_space<semaphore_mem>>)
    %dma_wait3A_29 = arith.constant 0 : i32
    %dma_wait3A_30 = tpu.memref_slice %arg2[%dma_wait3A_29] : memref<67108864xf32, #tpu.memory_space<hbm>> -> memref<67108864xf32, #tpu.memory_space<hbm>>
    tpu.wait_indirect_dma semaphore(%arg7 : memref<!tpu.dma_semaphore, #tpu.memory_space<semaphore_mem>>) src(%dma_wait3A_30 : memref<67108864xf32, #tpu.memory_space<hbm>>) dst(%arg6 : memref<4096xf32, #tpu.memory_space<vmem>>)
    "tpu.region"() ({
      %run_scoped3A = tpu.sem_alloc : memref<!tpu.dma_semaphore, #tpu.memory_space<semaphore_mem>>
      %dma_start3A_97 = tpu.memref_slice %arg4[%add3A_26] : memref<2097152xf32, #tpu.memory_space<hbm>> -> memref<4096xf32, #tpu.memory_space<hbm>>
      %dma_start3A_98 = tpu.memref_slice %arg4[%add3A_26] : memref<2097152xf32, #tpu.memory_space<hbm>> -> memref<4096xf32, #tpu.memory_space<hbm>>
      tpu.enqueue_dma source(%arg6 : memref<4096xf32, #tpu.memory_space<vmem>>) target(%dma_start3A_98 : memref<4096xf32, #tpu.memory_space<hbm>>) target_semaphore(%run_scoped3A : memref<!tpu.dma_semaphore, #tpu.memory_space<semaphore_mem>>)
      %dma_wait3A_99 = tpu.memref_slice %arg4[%add3A_26] : memref<2097152xf32, #tpu.memory_space<hbm>> -> memref<4096xf32, #tpu.memory_space<hbm>>
      %dma_wait3A_100 = tpu.memref_slice %arg4[%add3A_26] : memref<2097152xf32, #tpu.memory_space<hbm>> -> memref<4096xf32, #tpu.memory_space<hbm>>
      tpu.wait_dma2 semaphore(%run_scoped3A : memref<!tpu.dma_semaphore, #tpu.memory_space<semaphore_mem>>) src(%arg6 : memref<4096xf32, #tpu.memory_space<vmem>>) dst(%dma_wait3A_100 : memref<4096xf32, #tpu.memory_space<hbm>>)
      tpu.yield
    }) : () -> ()
    %add3A_31 = arith.constant 20480 : i32
    %add3A_32 = arith.addi %mul3A_2, %add3A_31 : i32
    "tpu.region"() ({
      %run_scoped3A = tpu.sem_alloc : memref<!tpu.dma_semaphore, #tpu.memory_space<semaphore_mem>>
      %dma_start3A_97 = tpu.memref_slice %arg3[%add3A_32] : memref<2097152xi32, #tpu.memory_space<hbm>> -> memref<4096xi32, #tpu.memory_space<hbm>>
      %dma_start3A_98 = tpu.memref_slice %arg3[%add3A_32] : memref<2097152xi32, #tpu.memory_space<hbm>> -> memref<4096xi32, #tpu.memory_space<hbm>>
      tpu.enqueue_dma source(%dma_start3A_98 : memref<4096xi32, #tpu.memory_space<hbm>>) target(%arg5 : memref<4096xi32, #tpu.memory_space<vmem>>) target_semaphore(%run_scoped3A : memref<!tpu.dma_semaphore, #tpu.memory_space<semaphore_mem>>)
      %dma_wait3A_99 = tpu.memref_slice %arg3[%add3A_32] : memref<2097152xi32, #tpu.memory_space<hbm>> -> memref<4096xi32, #tpu.memory_space<hbm>>
      %dma_wait3A_100 = tpu.memref_slice %arg3[%add3A_32] : memref<2097152xi32, #tpu.memory_space<hbm>> -> memref<4096xi32, #tpu.memory_space<hbm>>
      tpu.wait_dma2 semaphore(%run_scoped3A : memref<!tpu.dma_semaphore, #tpu.memory_space<semaphore_mem>>) src(%dma_wait3A_100 : memref<4096xi32, #tpu.memory_space<hbm>>) dst(%arg5 : memref<4096xi32, #tpu.memory_space<vmem>>)
      tpu.yield
    }) : () -> ()
    %dma_start3A_33 = arith.constant 0 : i32
    %dma_start3A_34 = tpu.memref_slice %arg2[%dma_start3A_33] : memref<67108864xf32, #tpu.memory_space<hbm>> -> memref<67108864xf32, #tpu.memory_space<hbm>>
    tpu.enqueue_indirect_dma source(%dma_start3A_34 : memref<67108864xf32, #tpu.memory_space<hbm>>) target(%arg6 : memref<4096xf32, #tpu.memory_space<vmem>>) offsets(%arg5 : memref<4096xi32, #tpu.memory_space<vmem>>) semaphore(%arg7 : memref<!tpu.dma_semaphore, #tpu.memory_space<semaphore_mem>>)
    %dma_wait3A_35 = arith.constant 0 : i32
    %dma_wait3A_36 = tpu.memref_slice %arg2[%dma_wait3A_35] : memref<67108864xf32, #tpu.memory_space<hbm>> -> memref<67108864xf32, #tpu.memory_space<hbm>>
    tpu.wait_indirect_dma semaphore(%arg7 : memref<!tpu.dma_semaphore, #tpu.memory_space<semaphore_mem>>) src(%dma_wait3A_36 : memref<67108864xf32, #tpu.memory_space<hbm>>) dst(%arg6 : memref<4096xf32, #tpu.memory_space<vmem>>)
    "tpu.region"() ({
      %run_scoped3A = tpu.sem_alloc : memref<!tpu.dma_semaphore, #tpu.memory_space<semaphore_mem>>
      %dma_start3A_97 = tpu.memref_slice %arg4[%add3A_32] : memref<2097152xf32, #tpu.memory_space<hbm>> -> memref<4096xf32, #tpu.memory_space<hbm>>
      %dma_start3A_98 = tpu.memref_slice %arg4[%add3A_32] : memref<2097152xf32, #tpu.memory_space<hbm>> -> memref<4096xf32, #tpu.memory_space<hbm>>
      tpu.enqueue_dma source(%arg6 : memref<4096xf32, #tpu.memory_space<vmem>>) target(%dma_start3A_98 : memref<4096xf32, #tpu.memory_space<hbm>>) target_semaphore(%run_scoped3A : memref<!tpu.dma_semaphore, #tpu.memory_space<semaphore_mem>>)
      %dma_wait3A_99 = tpu.memref_slice %arg4[%add3A_32] : memref<2097152xf32, #tpu.memory_space<hbm>> -> memref<4096xf32, #tpu.memory_space<hbm>>
      %dma_wait3A_100 = tpu.memref_slice %arg4[%add3A_32] : memref<2097152xf32, #tpu.memory_space<hbm>> -> memref<4096xf32, #tpu.memory_space<hbm>>
      tpu.wait_dma2 semaphore(%run_scoped3A : memref<!tpu.dma_semaphore, #tpu.memory_space<semaphore_mem>>) src(%arg6 : memref<4096xf32, #tpu.memory_space<vmem>>) dst(%dma_wait3A_100 : memref<4096xf32, #tpu.memory_space<hbm>>)
      tpu.yield
    }) : () -> ()
    %add3A_37 = arith.constant 24576 : i32
    %add3A_38 = arith.addi %mul3A_2, %add3A_37 : i32
    "tpu.region"() ({
      %run_scoped3A = tpu.sem_alloc : memref<!tpu.dma_semaphore, #tpu.memory_space<semaphore_mem>>
      %dma_start3A_97 = tpu.memref_slice %arg3[%add3A_38] : memref<2097152xi32, #tpu.memory_space<hbm>> -> memref<4096xi32, #tpu.memory_space<hbm>>
      %dma_start3A_98 = tpu.memref_slice %arg3[%add3A_38] : memref<2097152xi32, #tpu.memory_space<hbm>> -> memref<4096xi32, #tpu.memory_space<hbm>>
      tpu.enqueue_dma source(%dma_start3A_98 : memref<4096xi32, #tpu.memory_space<hbm>>) target(%arg5 : memref<4096xi32, #tpu.memory_space<vmem>>) target_semaphore(%run_scoped3A : memref<!tpu.dma_semaphore, #tpu.memory_space<semaphore_mem>>)
      %dma_wait3A_99 = tpu.memref_slice %arg3[%add3A_38] : memref<2097152xi32, #tpu.memory_space<hbm>> -> memref<4096xi32, #tpu.memory_space<hbm>>
      %dma_wait3A_100 = tpu.memref_slice %arg3[%add3A_38] : memref<2097152xi32, #tpu.memory_space<hbm>> -> memref<4096xi32, #tpu.memory_space<hbm>>
      tpu.wait_dma2 semaphore(%run_scoped3A : memref<!tpu.dma_semaphore, #tpu.memory_space<semaphore_mem>>) src(%dma_wait3A_100 : memref<4096xi32, #tpu.memory_space<hbm>>) dst(%arg5 : memref<4096xi32, #tpu.memory_space<vmem>>)
      tpu.yield
    }) : () -> ()
    %dma_start3A_39 = arith.constant 0 : i32
    %dma_start3A_40 = tpu.memref_slice %arg2[%dma_start3A_39] : memref<67108864xf32, #tpu.memory_space<hbm>> -> memref<67108864xf32, #tpu.memory_space<hbm>>
    tpu.enqueue_indirect_dma source(%dma_start3A_40 : memref<67108864xf32, #tpu.memory_space<hbm>>) target(%arg6 : memref<4096xf32, #tpu.memory_space<vmem>>) offsets(%arg5 : memref<4096xi32, #tpu.memory_space<vmem>>) semaphore(%arg7 : memref<!tpu.dma_semaphore, #tpu.memory_space<semaphore_mem>>)
    %dma_wait3A_41 = arith.constant 0 : i32
    %dma_wait3A_42 = tpu.memref_slice %arg2[%dma_wait3A_41] : memref<67108864xf32, #tpu.memory_space<hbm>> -> memref<67108864xf32, #tpu.memory_space<hbm>>
    tpu.wait_indirect_dma semaphore(%arg7 : memref<!tpu.dma_semaphore, #tpu.memory_space<semaphore_mem>>) src(%dma_wait3A_42 : memref<67108864xf32, #tpu.memory_space<hbm>>) dst(%arg6 : memref<4096xf32, #tpu.memory_space<vmem>>)
    "tpu.region"() ({
      %run_scoped3A = tpu.sem_alloc : memref<!tpu.dma_semaphore, #tpu.memory_space<semaphore_mem>>
      %dma_start3A_97 = tpu.memref_slice %arg4[%add3A_38] : memref<2097152xf32, #tpu.memory_space<hbm>> -> memref<4096xf32, #tpu.memory_space<hbm>>
      %dma_start3A_98 = tpu.memref_slice %arg4[%add3A_38] : memref<2097152xf32, #tpu.memory_space<hbm>> -> memref<4096xf32, #tpu.memory_space<hbm>>
      tpu.enqueue_dma source(%arg6 : memref<4096xf32, #tpu.memory_space<vmem>>) target(%dma_start3A_98 : memref<4096xf32, #tpu.memory_space<hbm>>) target_semaphore(%run_scoped3A : memref<!tpu.dma_semaphore, #tpu.memory_space<semaphore_mem>>)
      %dma_wait3A_99 = tpu.memref_slice %arg4[%add3A_38] : memref<2097152xf32, #tpu.memory_space<hbm>> -> memref<4096xf32, #tpu.memory_space<hbm>>
      %dma_wait3A_100 = tpu.memref_slice %arg4[%add3A_38] : memref<2097152xf32, #tpu.memory_space<hbm>> -> memref<4096xf32, #tpu.memory_space<hbm>>
      tpu.wait_dma2 semaphore(%run_scoped3A : memref<!tpu.dma_semaphore, #tpu.memory_space<semaphore_mem>>) src(%arg6 : memref<4096xf32, #tpu.memory_space<vmem>>) dst(%dma_wait3A_100 : memref<4096xf32, #tpu.memory_space<hbm>>)
      tpu.yield
    }) : () -> ()
    %add3A_43 = arith.constant 28672 : i32
    %add3A_44 = arith.addi %mul3A_2, %add3A_43 : i32
    "tpu.region"() ({
      %run_scoped3A = tpu.sem_alloc : memref<!tpu.dma_semaphore, #tpu.memory_space<semaphore_mem>>
      %dma_start3A_97 = tpu.memref_slice %arg3[%add3A_44] : memref<2097152xi32, #tpu.memory_space<hbm>> -> memref<4096xi32, #tpu.memory_space<hbm>>
      %dma_start3A_98 = tpu.memref_slice %arg3[%add3A_44] : memref<2097152xi32, #tpu.memory_space<hbm>> -> memref<4096xi32, #tpu.memory_space<hbm>>
      tpu.enqueue_dma source(%dma_start3A_98 : memref<4096xi32, #tpu.memory_space<hbm>>) target(%arg5 : memref<4096xi32, #tpu.memory_space<vmem>>) target_semaphore(%run_scoped3A : memref<!tpu.dma_semaphore, #tpu.memory_space<semaphore_mem>>)
      %dma_wait3A_99 = tpu.memref_slice %arg3[%add3A_44] : memref<2097152xi32, #tpu.memory_space<hbm>> -> memref<4096xi32, #tpu.memory_space<hbm>>
      %dma_wait3A_100 = tpu.memref_slice %arg3[%add3A_44] : memref<2097152xi32, #tpu.memory_space<hbm>> -> memref<4096xi32, #tpu.memory_space<hbm>>
      tpu.wait_dma2 semaphore(%run_scoped3A : memref<!tpu.dma_semaphore, #tpu.memory_space<semaphore_mem>>) src(%dma_wait3A_100 : memref<4096xi32, #tpu.memory_space<hbm>>) dst(%arg5 : memref<4096xi32, #tpu.memory_space<vmem>>)
      tpu.yield
    }) : () -> ()
    %dma_start3A_45 = arith.constant 0 : i32
    %dma_start3A_46 = tpu.memref_slice %arg2[%dma_start3A_45] : memref<67108864xf32, #tpu.memory_space<hbm>> -> memref<67108864xf32, #tpu.memory_space<hbm>>
    tpu.enqueue_indirect_dma source(%dma_start3A_46 : memref<67108864xf32, #tpu.memory_space<hbm>>) target(%arg6 : memref<4096xf32, #tpu.memory_space<vmem>>) offsets(%arg5 : memref<4096xi32, #tpu.memory_space<vmem>>) semaphore(%arg7 : memref<!tpu.dma_semaphore, #tpu.memory_space<semaphore_mem>>)
    %dma_wait3A_47 = arith.constant 0 : i32
    %dma_wait3A_48 = tpu.memref_slice %arg2[%dma_wait3A_47] : memref<67108864xf32, #tpu.memory_space<hbm>> -> memref<67108864xf32, #tpu.memory_space<hbm>>
    tpu.wait_indirect_dma semaphore(%arg7 : memref<!tpu.dma_semaphore, #tpu.memory_space<semaphore_mem>>) src(%dma_wait3A_48 : memref<67108864xf32, #tpu.memory_space<hbm>>) dst(%arg6 : memref<4096xf32, #tpu.memory_space<vmem>>)
    "tpu.region"() ({
      %run_scoped3A = tpu.sem_alloc : memref<!tpu.dma_semaphore, #tpu.memory_space<semaphore_mem>>
      %dma_start3A_97 = tpu.memref_slice %arg4[%add3A_44] : memref<2097152xf32, #tpu.memory_space<hbm>> -> memref<4096xf32, #tpu.memory_space<hbm>>
      %dma_start3A_98 = tpu.memref_slice %arg4[%add3A_44] : memref<2097152xf32, #tpu.memory_space<hbm>> -> memref<4096xf32, #tpu.memory_space<hbm>>
      tpu.enqueue_dma source(%arg6 : memref<4096xf32, #tpu.memory_space<vmem>>) target(%dma_start3A_98 : memref<4096xf32, #tpu.memory_space<hbm>>) target_semaphore(%run_scoped3A : memref<!tpu.dma_semaphore, #tpu.memory_space<semaphore_mem>>)
      %dma_wait3A_99 = tpu.memref_slice %arg4[%add3A_44] : memref<2097152xf32, #tpu.memory_space<hbm>> -> memref<4096xf32, #tpu.memory_space<hbm>>
      %dma_wait3A_100 = tpu.memref_slice %arg4[%add3A_44] : memref<2097152xf32, #tpu.memory_space<hbm>> -> memref<4096xf32, #tpu.memory_space<hbm>>
      tpu.wait_dma2 semaphore(%run_scoped3A : memref<!tpu.dma_semaphore, #tpu.memory_space<semaphore_mem>>) src(%arg6 : memref<4096xf32, #tpu.memory_space<vmem>>) dst(%dma_wait3A_100 : memref<4096xf32, #tpu.memory_space<hbm>>)
      tpu.yield
    }) : () -> ()
    %add3A_49 = arith.constant 32768 : i32
    %add3A_50 = arith.addi %mul3A_2, %add3A_49 : i32
    "tpu.region"() ({
      %run_scoped3A = tpu.sem_alloc : memref<!tpu.dma_semaphore, #tpu.memory_space<semaphore_mem>>
      %dma_start3A_97 = tpu.memref_slice %arg3[%add3A_50] : memref<2097152xi32, #tpu.memory_space<hbm>> -> memref<4096xi32, #tpu.memory_space<hbm>>
      %dma_start3A_98 = tpu.memref_slice %arg3[%add3A_50] : memref<2097152xi32, #tpu.memory_space<hbm>> -> memref<4096xi32, #tpu.memory_space<hbm>>
      tpu.enqueue_dma source(%dma_start3A_98 : memref<4096xi32, #tpu.memory_space<hbm>>) target(%arg5 : memref<4096xi32, #tpu.memory_space<vmem>>) target_semaphore(%run_scoped3A : memref<!tpu.dma_semaphore, #tpu.memory_space<semaphore_mem>>)
      %dma_wait3A_99 = tpu.memref_slice %arg3[%add3A_50] : memref<2097152xi32, #tpu.memory_space<hbm>> -> memref<4096xi32, #tpu.memory_space<hbm>>
      %dma_wait3A_100 = tpu.memref_slice %arg3[%add3A_50] : memref<2097152xi32, #tpu.memory_space<hbm>> -> memref<4096xi32, #tpu.memory_space<hbm>>
      tpu.wait_dma2 semaphore(%run_scoped3A : memref<!tpu.dma_semaphore, #tpu.memory_space<semaphore_mem>>) src(%dma_wait3A_100 : memref<4096xi32, #tpu.memory_space<hbm>>) dst(%arg5 : memref<4096xi32, #tpu.memory_space<vmem>>)
      tpu.yield
    }) : () -> ()
    %dma_start3A_51 = arith.constant 0 : i32
    %dma_start3A_52 = tpu.memref_slice %arg2[%dma_start3A_51] : memref<67108864xf32, #tpu.memory_space<hbm>> -> memref<67108864xf32, #tpu.memory_space<hbm>>
    tpu.enqueue_indirect_dma source(%dma_start3A_52 : memref<67108864xf32, #tpu.memory_space<hbm>>) target(%arg6 : memref<4096xf32, #tpu.memory_space<vmem>>) offsets(%arg5 : memref<4096xi32, #tpu.memory_space<vmem>>) semaphore(%arg7 : memref<!tpu.dma_semaphore, #tpu.memory_space<semaphore_mem>>)
    %dma_wait3A_53 = arith.constant 0 : i32
    %dma_wait3A_54 = tpu.memref_slice %arg2[%dma_wait3A_53] : memref<67108864xf32, #tpu.memory_space<hbm>> -> memref<67108864xf32, #tpu.memory_space<hbm>>
    tpu.wait_indirect_dma semaphore(%arg7 : memref<!tpu.dma_semaphore, #tpu.memory_space<semaphore_mem>>) src(%dma_wait3A_54 : memref<67108864xf32, #tpu.memory_space<hbm>>) dst(%arg6 : memref<4096xf32, #tpu.memory_space<vmem>>)
    "tpu.region"() ({
      %run_scoped3A = tpu.sem_alloc : memref<!tpu.dma_semaphore, #tpu.memory_space<semaphore_mem>>
      %dma_start3A_97 = tpu.memref_slice %arg4[%add3A_50] : memref<2097152xf32, #tpu.memory_space<hbm>> -> memref<4096xf32, #tpu.memory_space<hbm>>
      %dma_start3A_98 = tpu.memref_slice %arg4[%add3A_50] : memref<2097152xf32, #tpu.memory_space<hbm>> -> memref<4096xf32, #tpu.memory_space<hbm>>
      tpu.enqueue_dma source(%arg6 : memref<4096xf32, #tpu.memory_space<vmem>>) target(%dma_start3A_98 : memref<4096xf32, #tpu.memory_space<hbm>>) target_semaphore(%run_scoped3A : memref<!tpu.dma_semaphore, #tpu.memory_space<semaphore_mem>>)
      %dma_wait3A_99 = tpu.memref_slice %arg4[%add3A_50] : memref<2097152xf32, #tpu.memory_space<hbm>> -> memref<4096xf32, #tpu.memory_space<hbm>>
      %dma_wait3A_100 = tpu.memref_slice %arg4[%add3A_50] : memref<2097152xf32, #tpu.memory_space<hbm>> -> memref<4096xf32, #tpu.memory_space<hbm>>
      tpu.wait_dma2 semaphore(%run_scoped3A : memref<!tpu.dma_semaphore, #tpu.memory_space<semaphore_mem>>) src(%arg6 : memref<4096xf32, #tpu.memory_space<vmem>>) dst(%dma_wait3A_100 : memref<4096xf32, #tpu.memory_space<hbm>>)
      tpu.yield
    }) : () -> ()
    %add3A_55 = arith.constant 36864 : i32
    %add3A_56 = arith.addi %mul3A_2, %add3A_55 : i32
    "tpu.region"() ({
      %run_scoped3A = tpu.sem_alloc : memref<!tpu.dma_semaphore, #tpu.memory_space<semaphore_mem>>
      %dma_start3A_97 = tpu.memref_slice %arg3[%add3A_56] : memref<2097152xi32, #tpu.memory_space<hbm>> -> memref<4096xi32, #tpu.memory_space<hbm>>
      %dma_start3A_98 = tpu.memref_slice %arg3[%add3A_56] : memref<2097152xi32, #tpu.memory_space<hbm>> -> memref<4096xi32, #tpu.memory_space<hbm>>
      tpu.enqueue_dma source(%dma_start3A_98 : memref<4096xi32, #tpu.memory_space<hbm>>) target(%arg5 : memref<4096xi32, #tpu.memory_space<vmem>>) target_semaphore(%run_scoped3A : memref<!tpu.dma_semaphore, #tpu.memory_space<semaphore_mem>>)
      %dma_wait3A_99 = tpu.memref_slice %arg3[%add3A_56] : memref<2097152xi32, #tpu.memory_space<hbm>> -> memref<4096xi32, #tpu.memory_space<hbm>>
      %dma_wait3A_100 = tpu.memref_slice %arg3[%add3A_56] : memref<2097152xi32, #tpu.memory_space<hbm>> -> memref<4096xi32, #tpu.memory_space<hbm>>
      tpu.wait_dma2 semaphore(%run_scoped3A : memref<!tpu.dma_semaphore, #tpu.memory_space<semaphore_mem>>) src(%dma_wait3A_100 : memref<4096xi32, #tpu.memory_space<hbm>>) dst(%arg5 : memref<4096xi32, #tpu.memory_space<vmem>>)
      tpu.yield
    }) : () -> ()
    %dma_start3A_57 = arith.constant 0 : i32
    %dma_start3A_58 = tpu.memref_slice %arg2[%dma_start3A_57] : memref<67108864xf32, #tpu.memory_space<hbm>> -> memref<67108864xf32, #tpu.memory_space<hbm>>
    tpu.enqueue_indirect_dma source(%dma_start3A_58 : memref<67108864xf32, #tpu.memory_space<hbm>>) target(%arg6 : memref<4096xf32, #tpu.memory_space<vmem>>) offsets(%arg5 : memref<4096xi32, #tpu.memory_space<vmem>>) semaphore(%arg7 : memref<!tpu.dma_semaphore, #tpu.memory_space<semaphore_mem>>)
    %dma_wait3A_59 = arith.constant 0 : i32
    %dma_wait3A_60 = tpu.memref_slice %arg2[%dma_wait3A_59] : memref<67108864xf32, #tpu.memory_space<hbm>> -> memref<67108864xf32, #tpu.memory_space<hbm>>
    tpu.wait_indirect_dma semaphore(%arg7 : memref<!tpu.dma_semaphore, #tpu.memory_space<semaphore_mem>>) src(%dma_wait3A_60 : memref<67108864xf32, #tpu.memory_space<hbm>>) dst(%arg6 : memref<4096xf32, #tpu.memory_space<vmem>>)
    "tpu.region"() ({
      %run_scoped3A = tpu.sem_alloc : memref<!tpu.dma_semaphore, #tpu.memory_space<semaphore_mem>>
      %dma_start3A_97 = tpu.memref_slice %arg4[%add3A_56] : memref<2097152xf32, #tpu.memory_space<hbm>> -> memref<4096xf32, #tpu.memory_space<hbm>>
      %dma_start3A_98 = tpu.memref_slice %arg4[%add3A_56] : memref<2097152xf32, #tpu.memory_space<hbm>> -> memref<4096xf32, #tpu.memory_space<hbm>>
      tpu.enqueue_dma source(%arg6 : memref<4096xf32, #tpu.memory_space<vmem>>) target(%dma_start3A_98 : memref<4096xf32, #tpu.memory_space<hbm>>) target_semaphore(%run_scoped3A : memref<!tpu.dma_semaphore, #tpu.memory_space<semaphore_mem>>)
      %dma_wait3A_99 = tpu.memref_slice %arg4[%add3A_56] : memref<2097152xf32, #tpu.memory_space<hbm>> -> memref<4096xf32, #tpu.memory_space<hbm>>
      %dma_wait3A_100 = tpu.memref_slice %arg4[%add3A_56] : memref<2097152xf32, #tpu.memory_space<hbm>> -> memref<4096xf32, #tpu.memory_space<hbm>>
      tpu.wait_dma2 semaphore(%run_scoped3A : memref<!tpu.dma_semaphore, #tpu.memory_space<semaphore_mem>>) src(%arg6 : memref<4096xf32, #tpu.memory_space<vmem>>) dst(%dma_wait3A_100 : memref<4096xf32, #tpu.memory_space<hbm>>)
      tpu.yield
    }) : () -> ()
    %add3A_61 = arith.constant 40960 : i32
    %add3A_62 = arith.addi %mul3A_2, %add3A_61 : i32
    "tpu.region"() ({
      %run_scoped3A = tpu.sem_alloc : memref<!tpu.dma_semaphore, #tpu.memory_space<semaphore_mem>>
      %dma_start3A_97 = tpu.memref_slice %arg3[%add3A_62] : memref<2097152xi32, #tpu.memory_space<hbm>> -> memref<4096xi32, #tpu.memory_space<hbm>>
      %dma_start3A_98 = tpu.memref_slice %arg3[%add3A_62] : memref<2097152xi32, #tpu.memory_space<hbm>> -> memref<4096xi32, #tpu.memory_space<hbm>>
      tpu.enqueue_dma source(%dma_start3A_98 : memref<4096xi32, #tpu.memory_space<hbm>>) target(%arg5 : memref<4096xi32, #tpu.memory_space<vmem>>) target_semaphore(%run_scoped3A : memref<!tpu.dma_semaphore, #tpu.memory_space<semaphore_mem>>)
      %dma_wait3A_99 = tpu.memref_slice %arg3[%add3A_62] : memref<2097152xi32, #tpu.memory_space<hbm>> -> memref<4096xi32, #tpu.memory_space<hbm>>
      %dma_wait3A_100 = tpu.memref_slice %arg3[%add3A_62] : memref<2097152xi32, #tpu.memory_space<hbm>> -> memref<4096xi32, #tpu.memory_space<hbm>>
      tpu.wait_dma2 semaphore(%run_scoped3A : memref<!tpu.dma_semaphore, #tpu.memory_space<semaphore_mem>>) src(%dma_wait3A_100 : memref<4096xi32, #tpu.memory_space<hbm>>) dst(%arg5 : memref<4096xi32, #tpu.memory_space<vmem>>)
      tpu.yield
    }) : () -> ()
    %dma_start3A_63 = arith.constant 0 : i32
    %dma_start3A_64 = tpu.memref_slice %arg2[%dma_start3A_63] : memref<67108864xf32, #tpu.memory_space<hbm>> -> memref<67108864xf32, #tpu.memory_space<hbm>>
    tpu.enqueue_indirect_dma source(%dma_start3A_64 : memref<67108864xf32, #tpu.memory_space<hbm>>) target(%arg6 : memref<4096xf32, #tpu.memory_space<vmem>>) offsets(%arg5 : memref<4096xi32, #tpu.memory_space<vmem>>) semaphore(%arg7 : memref<!tpu.dma_semaphore, #tpu.memory_space<semaphore_mem>>)
    %dma_wait3A_65 = arith.constant 0 : i32
    %dma_wait3A_66 = tpu.memref_slice %arg2[%dma_wait3A_65] : memref<67108864xf32, #tpu.memory_space<hbm>> -> memref<67108864xf32, #tpu.memory_space<hbm>>
    tpu.wait_indirect_dma semaphore(%arg7 : memref<!tpu.dma_semaphore, #tpu.memory_space<semaphore_mem>>) src(%dma_wait3A_66 : memref<67108864xf32, #tpu.memory_space<hbm>>) dst(%arg6 : memref<4096xf32, #tpu.memory_space<vmem>>)
    "tpu.region"() ({
      %run_scoped3A = tpu.sem_alloc : memref<!tpu.dma_semaphore, #tpu.memory_space<semaphore_mem>>
      %dma_start3A_97 = tpu.memref_slice %arg4[%add3A_62] : memref<2097152xf32, #tpu.memory_space<hbm>> -> memref<4096xf32, #tpu.memory_space<hbm>>
      %dma_start3A_98 = tpu.memref_slice %arg4[%add3A_62] : memref<2097152xf32, #tpu.memory_space<hbm>> -> memref<4096xf32, #tpu.memory_space<hbm>>
      tpu.enqueue_dma source(%arg6 : memref<4096xf32, #tpu.memory_space<vmem>>) target(%dma_start3A_98 : memref<4096xf32, #tpu.memory_space<hbm>>) target_semaphore(%run_scoped3A : memref<!tpu.dma_semaphore, #tpu.memory_space<semaphore_mem>>)
      %dma_wait3A_99 = tpu.memref_slice %arg4[%add3A_62] : memref<2097152xf32, #tpu.memory_space<hbm>> -> memref<4096xf32, #tpu.memory_space<hbm>>
      %dma_wait3A_100 = tpu.memref_slice %arg4[%add3A_62] : memref<2097152xf32, #tpu.memory_space<hbm>> -> memref<4096xf32, #tpu.memory_space<hbm>>
      tpu.wait_dma2 semaphore(%run_scoped3A : memref<!tpu.dma_semaphore, #tpu.memory_space<semaphore_mem>>) src(%arg6 : memref<4096xf32, #tpu.memory_space<vmem>>) dst(%dma_wait3A_100 : memref<4096xf32, #tpu.memory_space<hbm>>)
      tpu.yield
    }) : () -> ()
    %add3A_67 = arith.constant 45056 : i32
    %add3A_68 = arith.addi %mul3A_2, %add3A_67 : i32
    "tpu.region"() ({
      %run_scoped3A = tpu.sem_alloc : memref<!tpu.dma_semaphore, #tpu.memory_space<semaphore_mem>>
      %dma_start3A_97 = tpu.memref_slice %arg3[%add3A_68] : memref<2097152xi32, #tpu.memory_space<hbm>> -> memref<4096xi32, #tpu.memory_space<hbm>>
      %dma_start3A_98 = tpu.memref_slice %arg3[%add3A_68] : memref<2097152xi32, #tpu.memory_space<hbm>> -> memref<4096xi32, #tpu.memory_space<hbm>>
      tpu.enqueue_dma source(%dma_start3A_98 : memref<4096xi32, #tpu.memory_space<hbm>>) target(%arg5 : memref<4096xi32, #tpu.memory_space<vmem>>) target_semaphore(%run_scoped3A : memref<!tpu.dma_semaphore, #tpu.memory_space<semaphore_mem>>)
      %dma_wait3A_99 = tpu.memref_slice %arg3[%add3A_68] : memref<2097152xi32, #tpu.memory_space<hbm>> -> memref<4096xi32, #tpu.memory_space<hbm>>
      %dma_wait3A_100 = tpu.memref_slice %arg3[%add3A_68] : memref<2097152xi32, #tpu.memory_space<hbm>> -> memref<4096xi32, #tpu.memory_space<hbm>>
      tpu.wait_dma2 semaphore(%run_scoped3A : memref<!tpu.dma_semaphore, #tpu.memory_space<semaphore_mem>>) src(%dma_wait3A_100 : memref<4096xi32, #tpu.memory_space<hbm>>) dst(%arg5 : memref<4096xi32, #tpu.memory_space<vmem>>)
      tpu.yield
    }) : () -> ()
    %dma_start3A_69 = arith.constant 0 : i32
    %dma_start3A_70 = tpu.memref_slice %arg2[%dma_start3A_69] : memref<67108864xf32, #tpu.memory_space<hbm>> -> memref<67108864xf32, #tpu.memory_space<hbm>>
    tpu.enqueue_indirect_dma source(%dma_start3A_70 : memref<67108864xf32, #tpu.memory_space<hbm>>) target(%arg6 : memref<4096xf32, #tpu.memory_space<vmem>>) offsets(%arg5 : memref<4096xi32, #tpu.memory_space<vmem>>) semaphore(%arg7 : memref<!tpu.dma_semaphore, #tpu.memory_space<semaphore_mem>>)
    %dma_wait3A_71 = arith.constant 0 : i32
    %dma_wait3A_72 = tpu.memref_slice %arg2[%dma_wait3A_71] : memref<67108864xf32, #tpu.memory_space<hbm>> -> memref<67108864xf32, #tpu.memory_space<hbm>>
    tpu.wait_indirect_dma semaphore(%arg7 : memref<!tpu.dma_semaphore, #tpu.memory_space<semaphore_mem>>) src(%dma_wait3A_72 : memref<67108864xf32, #tpu.memory_space<hbm>>) dst(%arg6 : memref<4096xf32, #tpu.memory_space<vmem>>)
    "tpu.region"() ({
      %run_scoped3A = tpu.sem_alloc : memref<!tpu.dma_semaphore, #tpu.memory_space<semaphore_mem>>
      %dma_start3A_97 = tpu.memref_slice %arg4[%add3A_68] : memref<2097152xf32, #tpu.memory_space<hbm>> -> memref<4096xf32, #tpu.memory_space<hbm>>
      %dma_start3A_98 = tpu.memref_slice %arg4[%add3A_68] : memref<2097152xf32, #tpu.memory_space<hbm>> -> memref<4096xf32, #tpu.memory_space<hbm>>
      tpu.enqueue_dma source(%arg6 : memref<4096xf32, #tpu.memory_space<vmem>>) target(%dma_start3A_98 : memref<4096xf32, #tpu.memory_space<hbm>>) target_semaphore(%run_scoped3A : memref<!tpu.dma_semaphore, #tpu.memory_space<semaphore_mem>>)
      %dma_wait3A_99 = tpu.memref_slice %arg4[%add3A_68] : memref<2097152xf32, #tpu.memory_space<hbm>> -> memref<4096xf32, #tpu.memory_space<hbm>>
      %dma_wait3A_100 = tpu.memref_slice %arg4[%add3A_68] : memref<2097152xf32, #tpu.memory_space<hbm>> -> memref<4096xf32, #tpu.memory_space<hbm>>
      tpu.wait_dma2 semaphore(%run_scoped3A : memref<!tpu.dma_semaphore, #tpu.memory_space<semaphore_mem>>) src(%arg6 : memref<4096xf32, #tpu.memory_space<vmem>>) dst(%dma_wait3A_100 : memref<4096xf32, #tpu.memory_space<hbm>>)
      tpu.yield
    }) : () -> ()
    %add3A_73 = arith.constant 49152 : i32
    %add3A_74 = arith.addi %mul3A_2, %add3A_73 : i32
    "tpu.region"() ({
      %run_scoped3A = tpu.sem_alloc : memref<!tpu.dma_semaphore, #tpu.memory_space<semaphore_mem>>
      %dma_start3A_97 = tpu.memref_slice %arg3[%add3A_74] : memref<2097152xi32, #tpu.memory_space<hbm>> -> memref<4096xi32, #tpu.memory_space<hbm>>
      %dma_start3A_98 = tpu.memref_slice %arg3[%add3A_74] : memref<2097152xi32, #tpu.memory_space<hbm>> -> memref<4096xi32, #tpu.memory_space<hbm>>
      tpu.enqueue_dma source(%dma_start3A_98 : memref<4096xi32, #tpu.memory_space<hbm>>) target(%arg5 : memref<4096xi32, #tpu.memory_space<vmem>>) target_semaphore(%run_scoped3A : memref<!tpu.dma_semaphore, #tpu.memory_space<semaphore_mem>>)
      %dma_wait3A_99 = tpu.memref_slice %arg3[%add3A_74] : memref<2097152xi32, #tpu.memory_space<hbm>> -> memref<4096xi32, #tpu.memory_space<hbm>>
      %dma_wait3A_100 = tpu.memref_slice %arg3[%add3A_74] : memref<2097152xi32, #tpu.memory_space<hbm>> -> memref<4096xi32, #tpu.memory_space<hbm>>
      tpu.wait_dma2 semaphore(%run_scoped3A : memref<!tpu.dma_semaphore, #tpu.memory_space<semaphore_mem>>) src(%dma_wait3A_100 : memref<4096xi32, #tpu.memory_space<hbm>>) dst(%arg5 : memref<4096xi32, #tpu.memory_space<vmem>>)
      tpu.yield
    }) : () -> ()
    %dma_start3A_75 = arith.constant 0 : i32
    %dma_start3A_76 = tpu.memref_slice %arg2[%dma_start3A_75] : memref<67108864xf32, #tpu.memory_space<hbm>> -> memref<67108864xf32, #tpu.memory_space<hbm>>
    tpu.enqueue_indirect_dma source(%dma_start3A_76 : memref<67108864xf32, #tpu.memory_space<hbm>>) target(%arg6 : memref<4096xf32, #tpu.memory_space<vmem>>) offsets(%arg5 : memref<4096xi32, #tpu.memory_space<vmem>>) semaphore(%arg7 : memref<!tpu.dma_semaphore, #tpu.memory_space<semaphore_mem>>)
    %dma_wait3A_77 = arith.constant 0 : i32
    %dma_wait3A_78 = tpu.memref_slice %arg2[%dma_wait3A_77] : memref<67108864xf32, #tpu.memory_space<hbm>> -> memref<67108864xf32, #tpu.memory_space<hbm>>
    tpu.wait_indirect_dma semaphore(%arg7 : memref<!tpu.dma_semaphore, #tpu.memory_space<semaphore_mem>>) src(%dma_wait3A_78 : memref<67108864xf32, #tpu.memory_space<hbm>>) dst(%arg6 : memref<4096xf32, #tpu.memory_space<vmem>>)
    "tpu.region"() ({
      %run_scoped3A = tpu.sem_alloc : memref<!tpu.dma_semaphore, #tpu.memory_space<semaphore_mem>>
      %dma_start3A_97 = tpu.memref_slice %arg4[%add3A_74] : memref<2097152xf32, #tpu.memory_space<hbm>> -> memref<4096xf32, #tpu.memory_space<hbm>>
      %dma_start3A_98 = tpu.memref_slice %arg4[%add3A_74] : memref<2097152xf32, #tpu.memory_space<hbm>> -> memref<4096xf32, #tpu.memory_space<hbm>>
      tpu.enqueue_dma source(%arg6 : memref<4096xf32, #tpu.memory_space<vmem>>) target(%dma_start3A_98 : memref<4096xf32, #tpu.memory_space<hbm>>) target_semaphore(%run_scoped3A : memref<!tpu.dma_semaphore, #tpu.memory_space<semaphore_mem>>)
      %dma_wait3A_99 = tpu.memref_slice %arg4[%add3A_74] : memref<2097152xf32, #tpu.memory_space<hbm>> -> memref<4096xf32, #tpu.memory_space<hbm>>
      %dma_wait3A_100 = tpu.memref_slice %arg4[%add3A_74] : memref<2097152xf32, #tpu.memory_space<hbm>> -> memref<4096xf32, #tpu.memory_space<hbm>>
      tpu.wait_dma2 semaphore(%run_scoped3A : memref<!tpu.dma_semaphore, #tpu.memory_space<semaphore_mem>>) src(%arg6 : memref<4096xf32, #tpu.memory_space<vmem>>) dst(%dma_wait3A_100 : memref<4096xf32, #tpu.memory_space<hbm>>)
      tpu.yield
    }) : () -> ()
    %add3A_79 = arith.constant 53248 : i32
    %add3A_80 = arith.addi %mul3A_2, %add3A_79 : i32
    "tpu.region"() ({
      %run_scoped3A = tpu.sem_alloc : memref<!tpu.dma_semaphore, #tpu.memory_space<semaphore_mem>>
      %dma_start3A_97 = tpu.memref_slice %arg3[%add3A_80] : memref<2097152xi32, #tpu.memory_space<hbm>> -> memref<4096xi32, #tpu.memory_space<hbm>>
      %dma_start3A_98 = tpu.memref_slice %arg3[%add3A_80] : memref<2097152xi32, #tpu.memory_space<hbm>> -> memref<4096xi32, #tpu.memory_space<hbm>>
      tpu.enqueue_dma source(%dma_start3A_98 : memref<4096xi32, #tpu.memory_space<hbm>>) target(%arg5 : memref<4096xi32, #tpu.memory_space<vmem>>) target_semaphore(%run_scoped3A : memref<!tpu.dma_semaphore, #tpu.memory_space<semaphore_mem>>)
      %dma_wait3A_99 = tpu.memref_slice %arg3[%add3A_80] : memref<2097152xi32, #tpu.memory_space<hbm>> -> memref<4096xi32, #tpu.memory_space<hbm>>
      %dma_wait3A_100 = tpu.memref_slice %arg3[%add3A_80] : memref<2097152xi32, #tpu.memory_space<hbm>> -> memref<4096xi32, #tpu.memory_space<hbm>>
      tpu.wait_dma2 semaphore(%run_scoped3A : memref<!tpu.dma_semaphore, #tpu.memory_space<semaphore_mem>>) src(%dma_wait3A_100 : memref<4096xi32, #tpu.memory_space<hbm>>) dst(%arg5 : memref<4096xi32, #tpu.memory_space<vmem>>)
      tpu.yield
    }) : () -> ()
    %dma_start3A_81 = arith.constant 0 : i32
    %dma_start3A_82 = tpu.memref_slice %arg2[%dma_start3A_81] : memref<67108864xf32, #tpu.memory_space<hbm>> -> memref<67108864xf32, #tpu.memory_space<hbm>>
    tpu.enqueue_indirect_dma source(%dma_start3A_82 : memref<67108864xf32, #tpu.memory_space<hbm>>) target(%arg6 : memref<4096xf32, #tpu.memory_space<vmem>>) offsets(%arg5 : memref<4096xi32, #tpu.memory_space<vmem>>) semaphore(%arg7 : memref<!tpu.dma_semaphore, #tpu.memory_space<semaphore_mem>>)
    %dma_wait3A_83 = arith.constant 0 : i32
    %dma_wait3A_84 = tpu.memref_slice %arg2[%dma_wait3A_83] : memref<67108864xf32, #tpu.memory_space<hbm>> -> memref<67108864xf32, #tpu.memory_space<hbm>>
    tpu.wait_indirect_dma semaphore(%arg7 : memref<!tpu.dma_semaphore, #tpu.memory_space<semaphore_mem>>) src(%dma_wait3A_84 : memref<67108864xf32, #tpu.memory_space<hbm>>) dst(%arg6 : memref<4096xf32, #tpu.memory_space<vmem>>)
    "tpu.region"() ({
      %run_scoped3A = tpu.sem_alloc : memref<!tpu.dma_semaphore, #tpu.memory_space<semaphore_mem>>
      %dma_start3A_97 = tpu.memref_slice %arg4[%add3A_80] : memref<2097152xf32, #tpu.memory_space<hbm>> -> memref<4096xf32, #tpu.memory_space<hbm>>
      %dma_start3A_98 = tpu.memref_slice %arg4[%add3A_80] : memref<2097152xf32, #tpu.memory_space<hbm>> -> memref<4096xf32, #tpu.memory_space<hbm>>
      tpu.enqueue_dma source(%arg6 : memref<4096xf32, #tpu.memory_space<vmem>>) target(%dma_start3A_98 : memref<4096xf32, #tpu.memory_space<hbm>>) target_semaphore(%run_scoped3A : memref<!tpu.dma_semaphore, #tpu.memory_space<semaphore_mem>>)
      %dma_wait3A_99 = tpu.memref_slice %arg4[%add3A_80] : memref<2097152xf32, #tpu.memory_space<hbm>> -> memref<4096xf32, #tpu.memory_space<hbm>>
      %dma_wait3A_100 = tpu.memref_slice %arg4[%add3A_80] : memref<2097152xf32, #tpu.memory_space<hbm>> -> memref<4096xf32, #tpu.memory_space<hbm>>
      tpu.wait_dma2 semaphore(%run_scoped3A : memref<!tpu.dma_semaphore, #tpu.memory_space<semaphore_mem>>) src(%arg6 : memref<4096xf32, #tpu.memory_space<vmem>>) dst(%dma_wait3A_100 : memref<4096xf32, #tpu.memory_space<hbm>>)
      tpu.yield
    }) : () -> ()
    %add3A_85 = arith.constant 57344 : i32
    %add3A_86 = arith.addi %mul3A_2, %add3A_85 : i32
    "tpu.region"() ({
      %run_scoped3A = tpu.sem_alloc : memref<!tpu.dma_semaphore, #tpu.memory_space<semaphore_mem>>
      %dma_start3A_97 = tpu.memref_slice %arg3[%add3A_86] : memref<2097152xi32, #tpu.memory_space<hbm>> -> memref<4096xi32, #tpu.memory_space<hbm>>
      %dma_start3A_98 = tpu.memref_slice %arg3[%add3A_86] : memref<2097152xi32, #tpu.memory_space<hbm>> -> memref<4096xi32, #tpu.memory_space<hbm>>
      tpu.enqueue_dma source(%dma_start3A_98 : memref<4096xi32, #tpu.memory_space<hbm>>) target(%arg5 : memref<4096xi32, #tpu.memory_space<vmem>>) target_semaphore(%run_scoped3A : memref<!tpu.dma_semaphore, #tpu.memory_space<semaphore_mem>>)
      %dma_wait3A_99 = tpu.memref_slice %arg3[%add3A_86] : memref<2097152xi32, #tpu.memory_space<hbm>> -> memref<4096xi32, #tpu.memory_space<hbm>>
      %dma_wait3A_100 = tpu.memref_slice %arg3[%add3A_86] : memref<2097152xi32, #tpu.memory_space<hbm>> -> memref<4096xi32, #tpu.memory_space<hbm>>
      tpu.wait_dma2 semaphore(%run_scoped3A : memref<!tpu.dma_semaphore, #tpu.memory_space<semaphore_mem>>) src(%dma_wait3A_100 : memref<4096xi32, #tpu.memory_space<hbm>>) dst(%arg5 : memref<4096xi32, #tpu.memory_space<vmem>>)
      tpu.yield
    }) : () -> ()
    %dma_start3A_87 = arith.constant 0 : i32
    %dma_start3A_88 = tpu.memref_slice %arg2[%dma_start3A_87] : memref<67108864xf32, #tpu.memory_space<hbm>> -> memref<67108864xf32, #tpu.memory_space<hbm>>
    tpu.enqueue_indirect_dma source(%dma_start3A_88 : memref<67108864xf32, #tpu.memory_space<hbm>>) target(%arg6 : memref<4096xf32, #tpu.memory_space<vmem>>) offsets(%arg5 : memref<4096xi32, #tpu.memory_space<vmem>>) semaphore(%arg7 : memref<!tpu.dma_semaphore, #tpu.memory_space<semaphore_mem>>)
    %dma_wait3A_89 = arith.constant 0 : i32
    %dma_wait3A_90 = tpu.memref_slice %arg2[%dma_wait3A_89] : memref<67108864xf32, #tpu.memory_space<hbm>> -> memref<67108864xf32, #tpu.memory_space<hbm>>
    tpu.wait_indirect_dma semaphore(%arg7 : memref<!tpu.dma_semaphore, #tpu.memory_space<semaphore_mem>>) src(%dma_wait3A_90 : memref<67108864xf32, #tpu.memory_space<hbm>>) dst(%arg6 : memref<4096xf32, #tpu.memory_space<vmem>>)
    "tpu.region"() ({
      %run_scoped3A = tpu.sem_alloc : memref<!tpu.dma_semaphore, #tpu.memory_space<semaphore_mem>>
      %dma_start3A_97 = tpu.memref_slice %arg4[%add3A_86] : memref<2097152xf32, #tpu.memory_space<hbm>> -> memref<4096xf32, #tpu.memory_space<hbm>>
      %dma_start3A_98 = tpu.memref_slice %arg4[%add3A_86] : memref<2097152xf32, #tpu.memory_space<hbm>> -> memref<4096xf32, #tpu.memory_space<hbm>>
      tpu.enqueue_dma source(%arg6 : memref<4096xf32, #tpu.memory_space<vmem>>) target(%dma_start3A_98 : memref<4096xf32, #tpu.memory_space<hbm>>) target_semaphore(%run_scoped3A : memref<!tpu.dma_semaphore, #tpu.memory_space<semaphore_mem>>)
      %dma_wait3A_99 = tpu.memref_slice %arg4[%add3A_86] : memref<2097152xf32, #tpu.memory_space<hbm>> -> memref<4096xf32, #tpu.memory_space<hbm>>
      %dma_wait3A_100 = tpu.memref_slice %arg4[%add3A_86] : memref<2097152xf32, #tpu.memory_space<hbm>> -> memref<4096xf32, #tpu.memory_space<hbm>>
      tpu.wait_dma2 semaphore(%run_scoped3A : memref<!tpu.dma_semaphore, #tpu.memory_space<semaphore_mem>>) src(%arg6 : memref<4096xf32, #tpu.memory_space<vmem>>) dst(%dma_wait3A_100 : memref<4096xf32, #tpu.memory_space<hbm>>)
      tpu.yield
    }) : () -> ()
    %add3A_91 = arith.constant 61440 : i32
    %add3A_92 = arith.addi %mul3A_2, %add3A_91 : i32
    "tpu.region"() ({
      %run_scoped3A = tpu.sem_alloc : memref<!tpu.dma_semaphore, #tpu.memory_space<semaphore_mem>>
      %dma_start3A_97 = tpu.memref_slice %arg3[%add3A_92] : memref<2097152xi32, #tpu.memory_space<hbm>> -> memref<4096xi32, #tpu.memory_space<hbm>>
      %dma_start3A_98 = tpu.memref_slice %arg3[%add3A_92] : memref<2097152xi32, #tpu.memory_space<hbm>> -> memref<4096xi32, #tpu.memory_space<hbm>>
      tpu.enqueue_dma source(%dma_start3A_98 : memref<4096xi32, #tpu.memory_space<hbm>>) target(%arg5 : memref<4096xi32, #tpu.memory_space<vmem>>) target_semaphore(%run_scoped3A : memref<!tpu.dma_semaphore, #tpu.memory_space<semaphore_mem>>)
      %dma_wait3A_99 = tpu.memref_slice %arg3[%add3A_92] : memref<2097152xi32, #tpu.memory_space<hbm>> -> memref<4096xi32, #tpu.memory_space<hbm>>
      %dma_wait3A_100 = tpu.memref_slice %arg3[%add3A_92] : memref<2097152xi32, #tpu.memory_space<hbm>> -> memref<4096xi32, #tpu.memory_space<hbm>>
      tpu.wait_dma2 semaphore(%run_scoped3A : memref<!tpu.dma_semaphore, #tpu.memory_space<semaphore_mem>>) src(%dma_wait3A_100 : memref<4096xi32, #tpu.memory_space<hbm>>) dst(%arg5 : memref<4096xi32, #tpu.memory_space<vmem>>)
      tpu.yield
    }) : () -> ()
    %dma_start3A_93 = arith.constant 0 : i32
    %dma_start3A_94 = tpu.memref_slice %arg2[%dma_start3A_93] : memref<67108864xf32, #tpu.memory_space<hbm>> -> memref<67108864xf32, #tpu.memory_space<hbm>>
    tpu.enqueue_indirect_dma source(%dma_start3A_94 : memref<67108864xf32, #tpu.memory_space<hbm>>) target(%arg6 : memref<4096xf32, #tpu.memory_space<vmem>>) offsets(%arg5 : memref<4096xi32, #tpu.memory_space<vmem>>) semaphore(%arg7 : memref<!tpu.dma_semaphore, #tpu.memory_space<semaphore_mem>>)
    %dma_wait3A_95 = arith.constant 0 : i32
    %dma_wait3A_96 = tpu.memref_slice %arg2[%dma_wait3A_95] : memref<67108864xf32, #tpu.memory_space<hbm>> -> memref<67108864xf32, #tpu.memory_space<hbm>>
    tpu.wait_indirect_dma semaphore(%arg7 : memref<!tpu.dma_semaphore, #tpu.memory_space<semaphore_mem>>) src(%dma_wait3A_96 : memref<67108864xf32, #tpu.memory_space<hbm>>) dst(%arg6 : memref<4096xf32, #tpu.memory_space<vmem>>)
    "tpu.region"() ({
      %run_scoped3A = tpu.sem_alloc : memref<!tpu.dma_semaphore, #tpu.memory_space<semaphore_mem>>
      %dma_start3A_97 = tpu.memref_slice %arg4[%add3A_92] : memref<2097152xf32, #tpu.memory_space<hbm>> -> memref<4096xf32, #tpu.memory_space<hbm>>
      %dma_start3A_98 = tpu.memref_slice %arg4[%add3A_92] : memref<2097152xf32, #tpu.memory_space<hbm>> -> memref<4096xf32, #tpu.memory_space<hbm>>
      tpu.enqueue_dma source(%arg6 : memref<4096xf32, #tpu.memory_space<vmem>>) target(%dma_start3A_98 : memref<4096xf32, #tpu.memory_space<hbm>>) target_semaphore(%run_scoped3A : memref<!tpu.dma_semaphore, #tpu.memory_space<semaphore_mem>>)
      %dma_wait3A_99 = tpu.memref_slice %arg4[%add3A_92] : memref<2097152xf32, #tpu.memory_space<hbm>> -> memref<4096xf32, #tpu.memory_space<hbm>>
      %dma_wait3A_100 = tpu.memref_slice %arg4[%add3A_92] : memref<2097152xf32, #tpu.memory_space<hbm>> -> memref<4096xf32, #tpu.memory_space<hbm>>
      tpu.wait_dma2 semaphore(%run_scoped3A : memref<!tpu.dma_semaphore, #tpu.memory_space<semaphore_mem>>) src(%arg6 : memref<4096xf32, #tpu.memory_space<vmem>>) dst(%dma_wait3A_100 : memref<4096xf32, #tpu.memory_space<hbm>>)
      tpu.yield
    }) : () -> ()
    return
  }
}

#map = affine_map<(d0, d1) -> (0)>
module attributes {stable_mosaic.version = 14 : i64} {
  func.func @gather_k(%arg0: i32, %arg1: i32, %arg2: memref<65536xf32, #tpu.memory_space<hbm>>, %arg3: memref<1048576xi32, #tpu.memory_space<hbm>>, %arg4: memref<1048576xf32, #tpu.memory_space<hbm>>, %arg5: memref<4096xi32, #tpu.memory_space<vmem>>, %arg6: memref<4096xf32, #tpu.memory_space<vmem>>, %arg7: memref<!tpu.dma_semaphore, #tpu.memory_space<semaphore_mem>>) attributes {dimension_semantics = [#tpu.dimension_semantics<core_parallel>, #tpu.dimension_semantics<subcore_parallel>], iteration_bounds = array<i64: 2, 16>, scalar_prefetch = 0 : i64, scratch_operands = 3 : i64, tpu.core_type = #tpu.core_type<sc_vector_subcore>, window_params = [{transform_indices = #map}, {transform_indices = #map}, {transform_indices = #map}]} {
    %mul3A = arith.constant 2 : i32
    %mul3A_0 = arith.muli %arg1, %mul3A : i32
    %add3A = arith.addi %mul3A_0, %arg0 : i32
    %mul3A_1 = arith.constant 32768 : i32
    %mul3A_2 = arith.muli %add3A, %mul3A_1 : i32
    %add3A_3 = arith.constant 0 : i32
    %add3A_4 = arith.addi %mul3A_2, %add3A_3 : i32
    "tpu.region"() ({
      %run_scoped3A = tpu.sem_alloc : memref<!tpu.dma_semaphore, #tpu.memory_space<semaphore_mem>>
      %dma_start3A_49 = tpu.memref_slice %arg3[%add3A_4] : memref<1048576xi32, #tpu.memory_space<hbm>> -> memref<4096xi32, #tpu.memory_space<hbm>>
      %dma_start3A_50 = tpu.memref_slice %arg3[%add3A_4] : memref<1048576xi32, #tpu.memory_space<hbm>> -> memref<4096xi32, #tpu.memory_space<hbm>>
      tpu.enqueue_dma source(%dma_start3A_50 : memref<4096xi32, #tpu.memory_space<hbm>>) target(%arg5 : memref<4096xi32, #tpu.memory_space<vmem>>) target_semaphore(%run_scoped3A : memref<!tpu.dma_semaphore, #tpu.memory_space<semaphore_mem>>)
      %dma_wait3A_51 = tpu.memref_slice %arg3[%add3A_4] : memref<1048576xi32, #tpu.memory_space<hbm>> -> memref<4096xi32, #tpu.memory_space<hbm>>
      %dma_wait3A_52 = tpu.memref_slice %arg3[%add3A_4] : memref<1048576xi32, #tpu.memory_space<hbm>> -> memref<4096xi32, #tpu.memory_space<hbm>>
      tpu.wait_dma2 semaphore(%run_scoped3A : memref<!tpu.dma_semaphore, #tpu.memory_space<semaphore_mem>>) src(%dma_wait3A_52 : memref<4096xi32, #tpu.memory_space<hbm>>) dst(%arg5 : memref<4096xi32, #tpu.memory_space<vmem>>)
      tpu.yield
    }) : () -> ()
    %dma_start3A = arith.constant 0 : i32
    %dma_start3A_5 = tpu.memref_slice %arg2[%dma_start3A] : memref<65536xf32, #tpu.memory_space<hbm>> -> memref<65536xf32, #tpu.memory_space<hbm>>
    tpu.enqueue_indirect_dma source(%dma_start3A_5 : memref<65536xf32, #tpu.memory_space<hbm>>) target(%arg6 : memref<4096xf32, #tpu.memory_space<vmem>>) offsets(%arg5 : memref<4096xi32, #tpu.memory_space<vmem>>) semaphore(%arg7 : memref<!tpu.dma_semaphore, #tpu.memory_space<semaphore_mem>>)
    %dma_wait3A = arith.constant 0 : i32
    %dma_wait3A_6 = tpu.memref_slice %arg2[%dma_wait3A] : memref<65536xf32, #tpu.memory_space<hbm>> -> memref<65536xf32, #tpu.memory_space<hbm>>
    tpu.wait_indirect_dma semaphore(%arg7 : memref<!tpu.dma_semaphore, #tpu.memory_space<semaphore_mem>>) src(%dma_wait3A_6 : memref<65536xf32, #tpu.memory_space<hbm>>) dst(%arg6 : memref<4096xf32, #tpu.memory_space<vmem>>)
    "tpu.region"() ({
      %run_scoped3A = tpu.sem_alloc : memref<!tpu.dma_semaphore, #tpu.memory_space<semaphore_mem>>
      %dma_start3A_49 = tpu.memref_slice %arg4[%add3A_4] : memref<1048576xf32, #tpu.memory_space<hbm>> -> memref<4096xf32, #tpu.memory_space<hbm>>
      %dma_start3A_50 = tpu.memref_slice %arg4[%add3A_4] : memref<1048576xf32, #tpu.memory_space<hbm>> -> memref<4096xf32, #tpu.memory_space<hbm>>
      tpu.enqueue_dma source(%arg6 : memref<4096xf32, #tpu.memory_space<vmem>>) target(%dma_start3A_50 : memref<4096xf32, #tpu.memory_space<hbm>>) target_semaphore(%run_scoped3A : memref<!tpu.dma_semaphore, #tpu.memory_space<semaphore_mem>>)
      %dma_wait3A_51 = tpu.memref_slice %arg4[%add3A_4] : memref<1048576xf32, #tpu.memory_space<hbm>> -> memref<4096xf32, #tpu.memory_space<hbm>>
      %dma_wait3A_52 = tpu.memref_slice %arg4[%add3A_4] : memref<1048576xf32, #tpu.memory_space<hbm>> -> memref<4096xf32, #tpu.memory_space<hbm>>
      tpu.wait_dma2 semaphore(%run_scoped3A : memref<!tpu.dma_semaphore, #tpu.memory_space<semaphore_mem>>) src(%arg6 : memref<4096xf32, #tpu.memory_space<vmem>>) dst(%dma_wait3A_52 : memref<4096xf32, #tpu.memory_space<hbm>>)
      tpu.yield
    }) : () -> ()
    %add3A_7 = arith.constant 4096 : i32
    %add3A_8 = arith.addi %mul3A_2, %add3A_7 : i32
    "tpu.region"() ({
      %run_scoped3A = tpu.sem_alloc : memref<!tpu.dma_semaphore, #tpu.memory_space<semaphore_mem>>
      %dma_start3A_49 = tpu.memref_slice %arg3[%add3A_8] : memref<1048576xi32, #tpu.memory_space<hbm>> -> memref<4096xi32, #tpu.memory_space<hbm>>
      %dma_start3A_50 = tpu.memref_slice %arg3[%add3A_8] : memref<1048576xi32, #tpu.memory_space<hbm>> -> memref<4096xi32, #tpu.memory_space<hbm>>
      tpu.enqueue_dma source(%dma_start3A_50 : memref<4096xi32, #tpu.memory_space<hbm>>) target(%arg5 : memref<4096xi32, #tpu.memory_space<vmem>>) target_semaphore(%run_scoped3A : memref<!tpu.dma_semaphore, #tpu.memory_space<semaphore_mem>>)
      %dma_wait3A_51 = tpu.memref_slice %arg3[%add3A_8] : memref<1048576xi32, #tpu.memory_space<hbm>> -> memref<4096xi32, #tpu.memory_space<hbm>>
      %dma_wait3A_52 = tpu.memref_slice %arg3[%add3A_8] : memref<1048576xi32, #tpu.memory_space<hbm>> -> memref<4096xi32, #tpu.memory_space<hbm>>
      tpu.wait_dma2 semaphore(%run_scoped3A : memref<!tpu.dma_semaphore, #tpu.memory_space<semaphore_mem>>) src(%dma_wait3A_52 : memref<4096xi32, #tpu.memory_space<hbm>>) dst(%arg5 : memref<4096xi32, #tpu.memory_space<vmem>>)
      tpu.yield
    }) : () -> ()
    %dma_start3A_9 = arith.constant 0 : i32
    %dma_start3A_10 = tpu.memref_slice %arg2[%dma_start3A_9] : memref<65536xf32, #tpu.memory_space<hbm>> -> memref<65536xf32, #tpu.memory_space<hbm>>
    tpu.enqueue_indirect_dma source(%dma_start3A_10 : memref<65536xf32, #tpu.memory_space<hbm>>) target(%arg6 : memref<4096xf32, #tpu.memory_space<vmem>>) offsets(%arg5 : memref<4096xi32, #tpu.memory_space<vmem>>) semaphore(%arg7 : memref<!tpu.dma_semaphore, #tpu.memory_space<semaphore_mem>>)
    %dma_wait3A_11 = arith.constant 0 : i32
    %dma_wait3A_12 = tpu.memref_slice %arg2[%dma_wait3A_11] : memref<65536xf32, #tpu.memory_space<hbm>> -> memref<65536xf32, #tpu.memory_space<hbm>>
    tpu.wait_indirect_dma semaphore(%arg7 : memref<!tpu.dma_semaphore, #tpu.memory_space<semaphore_mem>>) src(%dma_wait3A_12 : memref<65536xf32, #tpu.memory_space<hbm>>) dst(%arg6 : memref<4096xf32, #tpu.memory_space<vmem>>)
    "tpu.region"() ({
      %run_scoped3A = tpu.sem_alloc : memref<!tpu.dma_semaphore, #tpu.memory_space<semaphore_mem>>
      %dma_start3A_49 = tpu.memref_slice %arg4[%add3A_8] : memref<1048576xf32, #tpu.memory_space<hbm>> -> memref<4096xf32, #tpu.memory_space<hbm>>
      %dma_start3A_50 = tpu.memref_slice %arg4[%add3A_8] : memref<1048576xf32, #tpu.memory_space<hbm>> -> memref<4096xf32, #tpu.memory_space<hbm>>
      tpu.enqueue_dma source(%arg6 : memref<4096xf32, #tpu.memory_space<vmem>>) target(%dma_start3A_50 : memref<4096xf32, #tpu.memory_space<hbm>>) target_semaphore(%run_scoped3A : memref<!tpu.dma_semaphore, #tpu.memory_space<semaphore_mem>>)
      %dma_wait3A_51 = tpu.memref_slice %arg4[%add3A_8] : memref<1048576xf32, #tpu.memory_space<hbm>> -> memref<4096xf32, #tpu.memory_space<hbm>>
      %dma_wait3A_52 = tpu.memref_slice %arg4[%add3A_8] : memref<1048576xf32, #tpu.memory_space<hbm>> -> memref<4096xf32, #tpu.memory_space<hbm>>
      tpu.wait_dma2 semaphore(%run_scoped3A : memref<!tpu.dma_semaphore, #tpu.memory_space<semaphore_mem>>) src(%arg6 : memref<4096xf32, #tpu.memory_space<vmem>>) dst(%dma_wait3A_52 : memref<4096xf32, #tpu.memory_space<hbm>>)
      tpu.yield
    }) : () -> ()
    %add3A_13 = arith.constant 8192 : i32
    %add3A_14 = arith.addi %mul3A_2, %add3A_13 : i32
    "tpu.region"() ({
      %run_scoped3A = tpu.sem_alloc : memref<!tpu.dma_semaphore, #tpu.memory_space<semaphore_mem>>
      %dma_start3A_49 = tpu.memref_slice %arg3[%add3A_14] : memref<1048576xi32, #tpu.memory_space<hbm>> -> memref<4096xi32, #tpu.memory_space<hbm>>
      %dma_start3A_50 = tpu.memref_slice %arg3[%add3A_14] : memref<1048576xi32, #tpu.memory_space<hbm>> -> memref<4096xi32, #tpu.memory_space<hbm>>
      tpu.enqueue_dma source(%dma_start3A_50 : memref<4096xi32, #tpu.memory_space<hbm>>) target(%arg5 : memref<4096xi32, #tpu.memory_space<vmem>>) target_semaphore(%run_scoped3A : memref<!tpu.dma_semaphore, #tpu.memory_space<semaphore_mem>>)
      %dma_wait3A_51 = tpu.memref_slice %arg3[%add3A_14] : memref<1048576xi32, #tpu.memory_space<hbm>> -> memref<4096xi32, #tpu.memory_space<hbm>>
      %dma_wait3A_52 = tpu.memref_slice %arg3[%add3A_14] : memref<1048576xi32, #tpu.memory_space<hbm>> -> memref<4096xi32, #tpu.memory_space<hbm>>
      tpu.wait_dma2 semaphore(%run_scoped3A : memref<!tpu.dma_semaphore, #tpu.memory_space<semaphore_mem>>) src(%dma_wait3A_52 : memref<4096xi32, #tpu.memory_space<hbm>>) dst(%arg5 : memref<4096xi32, #tpu.memory_space<vmem>>)
      tpu.yield
    }) : () -> ()
    %dma_start3A_15 = arith.constant 0 : i32
    %dma_start3A_16 = tpu.memref_slice %arg2[%dma_start3A_15] : memref<65536xf32, #tpu.memory_space<hbm>> -> memref<65536xf32, #tpu.memory_space<hbm>>
    tpu.enqueue_indirect_dma source(%dma_start3A_16 : memref<65536xf32, #tpu.memory_space<hbm>>) target(%arg6 : memref<4096xf32, #tpu.memory_space<vmem>>) offsets(%arg5 : memref<4096xi32, #tpu.memory_space<vmem>>) semaphore(%arg7 : memref<!tpu.dma_semaphore, #tpu.memory_space<semaphore_mem>>)
    %dma_wait3A_17 = arith.constant 0 : i32
    %dma_wait3A_18 = tpu.memref_slice %arg2[%dma_wait3A_17] : memref<65536xf32, #tpu.memory_space<hbm>> -> memref<65536xf32, #tpu.memory_space<hbm>>
    tpu.wait_indirect_dma semaphore(%arg7 : memref<!tpu.dma_semaphore, #tpu.memory_space<semaphore_mem>>) src(%dma_wait3A_18 : memref<65536xf32, #tpu.memory_space<hbm>>) dst(%arg6 : memref<4096xf32, #tpu.memory_space<vmem>>)
    "tpu.region"() ({
      %run_scoped3A = tpu.sem_alloc : memref<!tpu.dma_semaphore, #tpu.memory_space<semaphore_mem>>
      %dma_start3A_49 = tpu.memref_slice %arg4[%add3A_14] : memref<1048576xf32, #tpu.memory_space<hbm>> -> memref<4096xf32, #tpu.memory_space<hbm>>
      %dma_start3A_50 = tpu.memref_slice %arg4[%add3A_14] : memref<1048576xf32, #tpu.memory_space<hbm>> -> memref<4096xf32, #tpu.memory_space<hbm>>
      tpu.enqueue_dma source(%arg6 : memref<4096xf32, #tpu.memory_space<vmem>>) target(%dma_start3A_50 : memref<4096xf32, #tpu.memory_space<hbm>>) target_semaphore(%run_scoped3A : memref<!tpu.dma_semaphore, #tpu.memory_space<semaphore_mem>>)
      %dma_wait3A_51 = tpu.memref_slice %arg4[%add3A_14] : memref<1048576xf32, #tpu.memory_space<hbm>> -> memref<4096xf32, #tpu.memory_space<hbm>>
      %dma_wait3A_52 = tpu.memref_slice %arg4[%add3A_14] : memref<1048576xf32, #tpu.memory_space<hbm>> -> memref<4096xf32, #tpu.memory_space<hbm>>
      tpu.wait_dma2 semaphore(%run_scoped3A : memref<!tpu.dma_semaphore, #tpu.memory_space<semaphore_mem>>) src(%arg6 : memref<4096xf32, #tpu.memory_space<vmem>>) dst(%dma_wait3A_52 : memref<4096xf32, #tpu.memory_space<hbm>>)
      tpu.yield
    }) : () -> ()
    %add3A_19 = arith.constant 12288 : i32
    %add3A_20 = arith.addi %mul3A_2, %add3A_19 : i32
    "tpu.region"() ({
      %run_scoped3A = tpu.sem_alloc : memref<!tpu.dma_semaphore, #tpu.memory_space<semaphore_mem>>
      %dma_start3A_49 = tpu.memref_slice %arg3[%add3A_20] : memref<1048576xi32, #tpu.memory_space<hbm>> -> memref<4096xi32, #tpu.memory_space<hbm>>
      %dma_start3A_50 = tpu.memref_slice %arg3[%add3A_20] : memref<1048576xi32, #tpu.memory_space<hbm>> -> memref<4096xi32, #tpu.memory_space<hbm>>
      tpu.enqueue_dma source(%dma_start3A_50 : memref<4096xi32, #tpu.memory_space<hbm>>) target(%arg5 : memref<4096xi32, #tpu.memory_space<vmem>>) target_semaphore(%run_scoped3A : memref<!tpu.dma_semaphore, #tpu.memory_space<semaphore_mem>>)
      %dma_wait3A_51 = tpu.memref_slice %arg3[%add3A_20] : memref<1048576xi32, #tpu.memory_space<hbm>> -> memref<4096xi32, #tpu.memory_space<hbm>>
      %dma_wait3A_52 = tpu.memref_slice %arg3[%add3A_20] : memref<1048576xi32, #tpu.memory_space<hbm>> -> memref<4096xi32, #tpu.memory_space<hbm>>
      tpu.wait_dma2 semaphore(%run_scoped3A : memref<!tpu.dma_semaphore, #tpu.memory_space<semaphore_mem>>) src(%dma_wait3A_52 : memref<4096xi32, #tpu.memory_space<hbm>>) dst(%arg5 : memref<4096xi32, #tpu.memory_space<vmem>>)
      tpu.yield
    }) : () -> ()
    %dma_start3A_21 = arith.constant 0 : i32
    %dma_start3A_22 = tpu.memref_slice %arg2[%dma_start3A_21] : memref<65536xf32, #tpu.memory_space<hbm>> -> memref<65536xf32, #tpu.memory_space<hbm>>
    tpu.enqueue_indirect_dma source(%dma_start3A_22 : memref<65536xf32, #tpu.memory_space<hbm>>) target(%arg6 : memref<4096xf32, #tpu.memory_space<vmem>>) offsets(%arg5 : memref<4096xi32, #tpu.memory_space<vmem>>) semaphore(%arg7 : memref<!tpu.dma_semaphore, #tpu.memory_space<semaphore_mem>>)
    %dma_wait3A_23 = arith.constant 0 : i32
    %dma_wait3A_24 = tpu.memref_slice %arg2[%dma_wait3A_23] : memref<65536xf32, #tpu.memory_space<hbm>> -> memref<65536xf32, #tpu.memory_space<hbm>>
    tpu.wait_indirect_dma semaphore(%arg7 : memref<!tpu.dma_semaphore, #tpu.memory_space<semaphore_mem>>) src(%dma_wait3A_24 : memref<65536xf32, #tpu.memory_space<hbm>>) dst(%arg6 : memref<4096xf32, #tpu.memory_space<vmem>>)
    "tpu.region"() ({
      %run_scoped3A = tpu.sem_alloc : memref<!tpu.dma_semaphore, #tpu.memory_space<semaphore_mem>>
      %dma_start3A_49 = tpu.memref_slice %arg4[%add3A_20] : memref<1048576xf32, #tpu.memory_space<hbm>> -> memref<4096xf32, #tpu.memory_space<hbm>>
      %dma_start3A_50 = tpu.memref_slice %arg4[%add3A_20] : memref<1048576xf32, #tpu.memory_space<hbm>> -> memref<4096xf32, #tpu.memory_space<hbm>>
      tpu.enqueue_dma source(%arg6 : memref<4096xf32, #tpu.memory_space<vmem>>) target(%dma_start3A_50 : memref<4096xf32, #tpu.memory_space<hbm>>) target_semaphore(%run_scoped3A : memref<!tpu.dma_semaphore, #tpu.memory_space<semaphore_mem>>)
      %dma_wait3A_51 = tpu.memref_slice %arg4[%add3A_20] : memref<1048576xf32, #tpu.memory_space<hbm>> -> memref<4096xf32, #tpu.memory_space<hbm>>
      %dma_wait3A_52 = tpu.memref_slice %arg4[%add3A_20] : memref<1048576xf32, #tpu.memory_space<hbm>> -> memref<4096xf32, #tpu.memory_space<hbm>>
      tpu.wait_dma2 semaphore(%run_scoped3A : memref<!tpu.dma_semaphore, #tpu.memory_space<semaphore_mem>>) src(%arg6 : memref<4096xf32, #tpu.memory_space<vmem>>) dst(%dma_wait3A_52 : memref<4096xf32, #tpu.memory_space<hbm>>)
      tpu.yield
    }) : () -> ()
    %add3A_25 = arith.constant 16384 : i32
    %add3A_26 = arith.addi %mul3A_2, %add3A_25 : i32
    "tpu.region"() ({
      %run_scoped3A = tpu.sem_alloc : memref<!tpu.dma_semaphore, #tpu.memory_space<semaphore_mem>>
      %dma_start3A_49 = tpu.memref_slice %arg3[%add3A_26] : memref<1048576xi32, #tpu.memory_space<hbm>> -> memref<4096xi32, #tpu.memory_space<hbm>>
      %dma_start3A_50 = tpu.memref_slice %arg3[%add3A_26] : memref<1048576xi32, #tpu.memory_space<hbm>> -> memref<4096xi32, #tpu.memory_space<hbm>>
      tpu.enqueue_dma source(%dma_start3A_50 : memref<4096xi32, #tpu.memory_space<hbm>>) target(%arg5 : memref<4096xi32, #tpu.memory_space<vmem>>) target_semaphore(%run_scoped3A : memref<!tpu.dma_semaphore, #tpu.memory_space<semaphore_mem>>)
      %dma_wait3A_51 = tpu.memref_slice %arg3[%add3A_26] : memref<1048576xi32, #tpu.memory_space<hbm>> -> memref<4096xi32, #tpu.memory_space<hbm>>
      %dma_wait3A_52 = tpu.memref_slice %arg3[%add3A_26] : memref<1048576xi32, #tpu.memory_space<hbm>> -> memref<4096xi32, #tpu.memory_space<hbm>>
      tpu.wait_dma2 semaphore(%run_scoped3A : memref<!tpu.dma_semaphore, #tpu.memory_space<semaphore_mem>>) src(%dma_wait3A_52 : memref<4096xi32, #tpu.memory_space<hbm>>) dst(%arg5 : memref<4096xi32, #tpu.memory_space<vmem>>)
      tpu.yield
    }) : () -> ()
    %dma_start3A_27 = arith.constant 0 : i32
    %dma_start3A_28 = tpu.memref_slice %arg2[%dma_start3A_27] : memref<65536xf32, #tpu.memory_space<hbm>> -> memref<65536xf32, #tpu.memory_space<hbm>>
    tpu.enqueue_indirect_dma source(%dma_start3A_28 : memref<65536xf32, #tpu.memory_space<hbm>>) target(%arg6 : memref<4096xf32, #tpu.memory_space<vmem>>) offsets(%arg5 : memref<4096xi32, #tpu.memory_space<vmem>>) semaphore(%arg7 : memref<!tpu.dma_semaphore, #tpu.memory_space<semaphore_mem>>)
    %dma_wait3A_29 = arith.constant 0 : i32
    %dma_wait3A_30 = tpu.memref_slice %arg2[%dma_wait3A_29] : memref<65536xf32, #tpu.memory_space<hbm>> -> memref<65536xf32, #tpu.memory_space<hbm>>
    tpu.wait_indirect_dma semaphore(%arg7 : memref<!tpu.dma_semaphore, #tpu.memory_space<semaphore_mem>>) src(%dma_wait3A_30 : memref<65536xf32, #tpu.memory_space<hbm>>) dst(%arg6 : memref<4096xf32, #tpu.memory_space<vmem>>)
    "tpu.region"() ({
      %run_scoped3A = tpu.sem_alloc : memref<!tpu.dma_semaphore, #tpu.memory_space<semaphore_mem>>
      %dma_start3A_49 = tpu.memref_slice %arg4[%add3A_26] : memref<1048576xf32, #tpu.memory_space<hbm>> -> memref<4096xf32, #tpu.memory_space<hbm>>
      %dma_start3A_50 = tpu.memref_slice %arg4[%add3A_26] : memref<1048576xf32, #tpu.memory_space<hbm>> -> memref<4096xf32, #tpu.memory_space<hbm>>
      tpu.enqueue_dma source(%arg6 : memref<4096xf32, #tpu.memory_space<vmem>>) target(%dma_start3A_50 : memref<4096xf32, #tpu.memory_space<hbm>>) target_semaphore(%run_scoped3A : memref<!tpu.dma_semaphore, #tpu.memory_space<semaphore_mem>>)
      %dma_wait3A_51 = tpu.memref_slice %arg4[%add3A_26] : memref<1048576xf32, #tpu.memory_space<hbm>> -> memref<4096xf32, #tpu.memory_space<hbm>>
      %dma_wait3A_52 = tpu.memref_slice %arg4[%add3A_26] : memref<1048576xf32, #tpu.memory_space<hbm>> -> memref<4096xf32, #tpu.memory_space<hbm>>
      tpu.wait_dma2 semaphore(%run_scoped3A : memref<!tpu.dma_semaphore, #tpu.memory_space<semaphore_mem>>) src(%arg6 : memref<4096xf32, #tpu.memory_space<vmem>>) dst(%dma_wait3A_52 : memref<4096xf32, #tpu.memory_space<hbm>>)
      tpu.yield
    }) : () -> ()
    %add3A_31 = arith.constant 20480 : i32
    %add3A_32 = arith.addi %mul3A_2, %add3A_31 : i32
    "tpu.region"() ({
      %run_scoped3A = tpu.sem_alloc : memref<!tpu.dma_semaphore, #tpu.memory_space<semaphore_mem>>
      %dma_start3A_49 = tpu.memref_slice %arg3[%add3A_32] : memref<1048576xi32, #tpu.memory_space<hbm>> -> memref<4096xi32, #tpu.memory_space<hbm>>
      %dma_start3A_50 = tpu.memref_slice %arg3[%add3A_32] : memref<1048576xi32, #tpu.memory_space<hbm>> -> memref<4096xi32, #tpu.memory_space<hbm>>
      tpu.enqueue_dma source(%dma_start3A_50 : memref<4096xi32, #tpu.memory_space<hbm>>) target(%arg5 : memref<4096xi32, #tpu.memory_space<vmem>>) target_semaphore(%run_scoped3A : memref<!tpu.dma_semaphore, #tpu.memory_space<semaphore_mem>>)
      %dma_wait3A_51 = tpu.memref_slice %arg3[%add3A_32] : memref<1048576xi32, #tpu.memory_space<hbm>> -> memref<4096xi32, #tpu.memory_space<hbm>>
      %dma_wait3A_52 = tpu.memref_slice %arg3[%add3A_32] : memref<1048576xi32, #tpu.memory_space<hbm>> -> memref<4096xi32, #tpu.memory_space<hbm>>
      tpu.wait_dma2 semaphore(%run_scoped3A : memref<!tpu.dma_semaphore, #tpu.memory_space<semaphore_mem>>) src(%dma_wait3A_52 : memref<4096xi32, #tpu.memory_space<hbm>>) dst(%arg5 : memref<4096xi32, #tpu.memory_space<vmem>>)
      tpu.yield
    }) : () -> ()
    %dma_start3A_33 = arith.constant 0 : i32
    %dma_start3A_34 = tpu.memref_slice %arg2[%dma_start3A_33] : memref<65536xf32, #tpu.memory_space<hbm>> -> memref<65536xf32, #tpu.memory_space<hbm>>
    tpu.enqueue_indirect_dma source(%dma_start3A_34 : memref<65536xf32, #tpu.memory_space<hbm>>) target(%arg6 : memref<4096xf32, #tpu.memory_space<vmem>>) offsets(%arg5 : memref<4096xi32, #tpu.memory_space<vmem>>) semaphore(%arg7 : memref<!tpu.dma_semaphore, #tpu.memory_space<semaphore_mem>>)
    %dma_wait3A_35 = arith.constant 0 : i32
    %dma_wait3A_36 = tpu.memref_slice %arg2[%dma_wait3A_35] : memref<65536xf32, #tpu.memory_space<hbm>> -> memref<65536xf32, #tpu.memory_space<hbm>>
    tpu.wait_indirect_dma semaphore(%arg7 : memref<!tpu.dma_semaphore, #tpu.memory_space<semaphore_mem>>) src(%dma_wait3A_36 : memref<65536xf32, #tpu.memory_space<hbm>>) dst(%arg6 : memref<4096xf32, #tpu.memory_space<vmem>>)
    "tpu.region"() ({
      %run_scoped3A = tpu.sem_alloc : memref<!tpu.dma_semaphore, #tpu.memory_space<semaphore_mem>>
      %dma_start3A_49 = tpu.memref_slice %arg4[%add3A_32] : memref<1048576xf32, #tpu.memory_space<hbm>> -> memref<4096xf32, #tpu.memory_space<hbm>>
      %dma_start3A_50 = tpu.memref_slice %arg4[%add3A_32] : memref<1048576xf32, #tpu.memory_space<hbm>> -> memref<4096xf32, #tpu.memory_space<hbm>>
      tpu.enqueue_dma source(%arg6 : memref<4096xf32, #tpu.memory_space<vmem>>) target(%dma_start3A_50 : memref<4096xf32, #tpu.memory_space<hbm>>) target_semaphore(%run_scoped3A : memref<!tpu.dma_semaphore, #tpu.memory_space<semaphore_mem>>)
      %dma_wait3A_51 = tpu.memref_slice %arg4[%add3A_32] : memref<1048576xf32, #tpu.memory_space<hbm>> -> memref<4096xf32, #tpu.memory_space<hbm>>
      %dma_wait3A_52 = tpu.memref_slice %arg4[%add3A_32] : memref<1048576xf32, #tpu.memory_space<hbm>> -> memref<4096xf32, #tpu.memory_space<hbm>>
      tpu.wait_dma2 semaphore(%run_scoped3A : memref<!tpu.dma_semaphore, #tpu.memory_space<semaphore_mem>>) src(%arg6 : memref<4096xf32, #tpu.memory_space<vmem>>) dst(%dma_wait3A_52 : memref<4096xf32, #tpu.memory_space<hbm>>)
      tpu.yield
    }) : () -> ()
    %add3A_37 = arith.constant 24576 : i32
    %add3A_38 = arith.addi %mul3A_2, %add3A_37 : i32
    "tpu.region"() ({
      %run_scoped3A = tpu.sem_alloc : memref<!tpu.dma_semaphore, #tpu.memory_space<semaphore_mem>>
      %dma_start3A_49 = tpu.memref_slice %arg3[%add3A_38] : memref<1048576xi32, #tpu.memory_space<hbm>> -> memref<4096xi32, #tpu.memory_space<hbm>>
      %dma_start3A_50 = tpu.memref_slice %arg3[%add3A_38] : memref<1048576xi32, #tpu.memory_space<hbm>> -> memref<4096xi32, #tpu.memory_space<hbm>>
      tpu.enqueue_dma source(%dma_start3A_50 : memref<4096xi32, #tpu.memory_space<hbm>>) target(%arg5 : memref<4096xi32, #tpu.memory_space<vmem>>) target_semaphore(%run_scoped3A : memref<!tpu.dma_semaphore, #tpu.memory_space<semaphore_mem>>)
      %dma_wait3A_51 = tpu.memref_slice %arg3[%add3A_38] : memref<1048576xi32, #tpu.memory_space<hbm>> -> memref<4096xi32, #tpu.memory_space<hbm>>
      %dma_wait3A_52 = tpu.memref_slice %arg3[%add3A_38] : memref<1048576xi32, #tpu.memory_space<hbm>> -> memref<4096xi32, #tpu.memory_space<hbm>>
      tpu.wait_dma2 semaphore(%run_scoped3A : memref<!tpu.dma_semaphore, #tpu.memory_space<semaphore_mem>>) src(%dma_wait3A_52 : memref<4096xi32, #tpu.memory_space<hbm>>) dst(%arg5 : memref<4096xi32, #tpu.memory_space<vmem>>)
      tpu.yield
    }) : () -> ()
    %dma_start3A_39 = arith.constant 0 : i32
    %dma_start3A_40 = tpu.memref_slice %arg2[%dma_start3A_39] : memref<65536xf32, #tpu.memory_space<hbm>> -> memref<65536xf32, #tpu.memory_space<hbm>>
    tpu.enqueue_indirect_dma source(%dma_start3A_40 : memref<65536xf32, #tpu.memory_space<hbm>>) target(%arg6 : memref<4096xf32, #tpu.memory_space<vmem>>) offsets(%arg5 : memref<4096xi32, #tpu.memory_space<vmem>>) semaphore(%arg7 : memref<!tpu.dma_semaphore, #tpu.memory_space<semaphore_mem>>)
    %dma_wait3A_41 = arith.constant 0 : i32
    %dma_wait3A_42 = tpu.memref_slice %arg2[%dma_wait3A_41] : memref<65536xf32, #tpu.memory_space<hbm>> -> memref<65536xf32, #tpu.memory_space<hbm>>
    tpu.wait_indirect_dma semaphore(%arg7 : memref<!tpu.dma_semaphore, #tpu.memory_space<semaphore_mem>>) src(%dma_wait3A_42 : memref<65536xf32, #tpu.memory_space<hbm>>) dst(%arg6 : memref<4096xf32, #tpu.memory_space<vmem>>)
    "tpu.region"() ({
      %run_scoped3A = tpu.sem_alloc : memref<!tpu.dma_semaphore, #tpu.memory_space<semaphore_mem>>
      %dma_start3A_49 = tpu.memref_slice %arg4[%add3A_38] : memref<1048576xf32, #tpu.memory_space<hbm>> -> memref<4096xf32, #tpu.memory_space<hbm>>
      %dma_start3A_50 = tpu.memref_slice %arg4[%add3A_38] : memref<1048576xf32, #tpu.memory_space<hbm>> -> memref<4096xf32, #tpu.memory_space<hbm>>
      tpu.enqueue_dma source(%arg6 : memref<4096xf32, #tpu.memory_space<vmem>>) target(%dma_start3A_50 : memref<4096xf32, #tpu.memory_space<hbm>>) target_semaphore(%run_scoped3A : memref<!tpu.dma_semaphore, #tpu.memory_space<semaphore_mem>>)
      %dma_wait3A_51 = tpu.memref_slice %arg4[%add3A_38] : memref<1048576xf32, #tpu.memory_space<hbm>> -> memref<4096xf32, #tpu.memory_space<hbm>>
      %dma_wait3A_52 = tpu.memref_slice %arg4[%add3A_38] : memref<1048576xf32, #tpu.memory_space<hbm>> -> memref<4096xf32, #tpu.memory_space<hbm>>
      tpu.wait_dma2 semaphore(%run_scoped3A : memref<!tpu.dma_semaphore, #tpu.memory_space<semaphore_mem>>) src(%arg6 : memref<4096xf32, #tpu.memory_space<vmem>>) dst(%dma_wait3A_52 : memref<4096xf32, #tpu.memory_space<hbm>>)
      tpu.yield
    }) : () -> ()
    %add3A_43 = arith.constant 28672 : i32
    %add3A_44 = arith.addi %mul3A_2, %add3A_43 : i32
    "tpu.region"() ({
      %run_scoped3A = tpu.sem_alloc : memref<!tpu.dma_semaphore, #tpu.memory_space<semaphore_mem>>
      %dma_start3A_49 = tpu.memref_slice %arg3[%add3A_44] : memref<1048576xi32, #tpu.memory_space<hbm>> -> memref<4096xi32, #tpu.memory_space<hbm>>
      %dma_start3A_50 = tpu.memref_slice %arg3[%add3A_44] : memref<1048576xi32, #tpu.memory_space<hbm>> -> memref<4096xi32, #tpu.memory_space<hbm>>
      tpu.enqueue_dma source(%dma_start3A_50 : memref<4096xi32, #tpu.memory_space<hbm>>) target(%arg5 : memref<4096xi32, #tpu.memory_space<vmem>>) target_semaphore(%run_scoped3A : memref<!tpu.dma_semaphore, #tpu.memory_space<semaphore_mem>>)
      %dma_wait3A_51 = tpu.memref_slice %arg3[%add3A_44] : memref<1048576xi32, #tpu.memory_space<hbm>> -> memref<4096xi32, #tpu.memory_space<hbm>>
      %dma_wait3A_52 = tpu.memref_slice %arg3[%add3A_44] : memref<1048576xi32, #tpu.memory_space<hbm>> -> memref<4096xi32, #tpu.memory_space<hbm>>
      tpu.wait_dma2 semaphore(%run_scoped3A : memref<!tpu.dma_semaphore, #tpu.memory_space<semaphore_mem>>) src(%dma_wait3A_52 : memref<4096xi32, #tpu.memory_space<hbm>>) dst(%arg5 : memref<4096xi32, #tpu.memory_space<vmem>>)
      tpu.yield
    }) : () -> ()
    %dma_start3A_45 = arith.constant 0 : i32
    %dma_start3A_46 = tpu.memref_slice %arg2[%dma_start3A_45] : memref<65536xf32, #tpu.memory_space<hbm>> -> memref<65536xf32, #tpu.memory_space<hbm>>
    tpu.enqueue_indirect_dma source(%dma_start3A_46 : memref<65536xf32, #tpu.memory_space<hbm>>) target(%arg6 : memref<4096xf32, #tpu.memory_space<vmem>>) offsets(%arg5 : memref<4096xi32, #tpu.memory_space<vmem>>) semaphore(%arg7 : memref<!tpu.dma_semaphore, #tpu.memory_space<semaphore_mem>>)
    %dma_wait3A_47 = arith.constant 0 : i32
    %dma_wait3A_48 = tpu.memref_slice %arg2[%dma_wait3A_47] : memref<65536xf32, #tpu.memory_space<hbm>> -> memref<65536xf32, #tpu.memory_space<hbm>>
    tpu.wait_indirect_dma semaphore(%arg7 : memref<!tpu.dma_semaphore, #tpu.memory_space<semaphore_mem>>) src(%dma_wait3A_48 : memref<65536xf32, #tpu.memory_space<hbm>>) dst(%arg6 : memref<4096xf32, #tpu.memory_space<vmem>>)
    "tpu.region"() ({
      %run_scoped3A = tpu.sem_alloc : memref<!tpu.dma_semaphore, #tpu.memory_space<semaphore_mem>>
      %dma_start3A_49 = tpu.memref_slice %arg4[%add3A_44] : memref<1048576xf32, #tpu.memory_space<hbm>> -> memref<4096xf32, #tpu.memory_space<hbm>>
      %dma_start3A_50 = tpu.memref_slice %arg4[%add3A_44] : memref<1048576xf32, #tpu.memory_space<hbm>> -> memref<4096xf32, #tpu.memory_space<hbm>>
      tpu.enqueue_dma source(%arg6 : memref<4096xf32, #tpu.memory_space<vmem>>) target(%dma_start3A_50 : memref<4096xf32, #tpu.memory_space<hbm>>) target_semaphore(%run_scoped3A : memref<!tpu.dma_semaphore, #tpu.memory_space<semaphore_mem>>)
      %dma_wait3A_51 = tpu.memref_slice %arg4[%add3A_44] : memref<1048576xf32, #tpu.memory_space<hbm>> -> memref<4096xf32, #tpu.memory_space<hbm>>
      %dma_wait3A_52 = tpu.memref_slice %arg4[%add3A_44] : memref<1048576xf32, #tpu.memory_space<hbm>> -> memref<4096xf32, #tpu.memory_space<hbm>>
      tpu.wait_dma2 semaphore(%run_scoped3A : memref<!tpu.dma_semaphore, #tpu.memory_space<semaphore_mem>>) src(%arg6 : memref<4096xf32, #tpu.memory_space<vmem>>) dst(%dma_wait3A_52 : memref<4096xf32, #tpu.memory_space<hbm>>)
      tpu.yield
    }) : () -> ()
    return
  }
}

module attributes {stable_mosaic.version = 14 : i64} {
  func.func @_dist_prune_kernel(%arg0: i32, %arg1: i32, %arg2: memref<1x8192x4xf32, #tpu.memory_space<vmem>>, %arg3: memref<1x256x4xf32, #tpu.memory_space<vmem>>, %arg4: memref<2097152xf32, #tpu.memory_space<vmem>>, %arg5: memref<1x256x256xi32, #tpu.memory_space<vmem>>, %arg6: memref<1x256x256xi32, #tpu.memory_space<vmem>>, %arg7: memref<256x1024xf32, #tpu.memory_space<vmem>>) attributes {dimension_semantics = [#tpu.dimension_semantics<arbitrary>, #tpu.dimension_semantics<arbitrary>], iteration_bounds = array<i64: 2, 16>, scalar_prefetch = 0 : i64, scratch_operands = 1 : i64, tpu.core_type = #tpu.core_type<tc>, window_params = [{transform_indices = @transform_0, window_bounds = array<i64: 1, 8192, 4>}, {transform_indices = @transform_1, window_bounds = array<i64: 1, 256, 4>}, {transform_indices = @transform_2, window_bounds = array<i64: 2097152>}, {transform_indices = @transform_3, window_bounds = array<i64: 1, 256, 256>}, {transform_indices = @transform_4, window_bounds = array<i64: 1, 256, 256>}]} {
    %get3A = arith.constant 0 : index
    %get3A_0 = arith.constant 0 : index
    %get3A_1 = arith.constant 0 : index
    %get3A_2 = vector.load %arg2[%get3A, %get3A_0, %get3A_1] : memref<1x8192x4xf32, #tpu.memory_space<vmem>>, vector<1x8192x4xf32>
    %get3A_3 = vector.shape_cast %get3A_2 : vector<1x8192x4xf32> to vector<8192x4xf32>
    %slice3A = vector.extract_strided_slice %get3A_3 {offsets = [0, 0], sizes = [8192, 3], strides = [1, 1]} : vector<8192x4xf32> to vector<8192x3xf32>
    %get3A_4 = arith.constant 0 : index
    %get3A_5 = arith.constant 0 : index
    %get3A_6 = arith.constant 0 : index
    %get3A_7 = vector.load %arg3[%get3A_4, %get3A_5, %get3A_6] : memref<1x256x4xf32, #tpu.memory_space<vmem>>, vector<1x256x4xf32>
    %get3A_8 = vector.shape_cast %get3A_7 : vector<1x256x4xf32> to vector<256x4xf32>
    %slice3A_9 = vector.extract_strided_slice %get3A_8 {offsets = [0, 0], sizes = [256, 3], strides = [1, 1]} : vector<256x4xf32> to vector<256x3xf32>
    %mul3A = arith.mulf %slice3A_9, %slice3A_9 : vector<256x3xf32>
    %reduce_sum3A = arith.constant dense<0.000000e+00> : vector<256xf32>
    %reduce_sum3A_10 = vector.multi_reduction <add>, %mul3A, %reduce_sum3A [1] : vector<256x3xf32> to vector<256xf32>
    %broadcast_in_dim3A = vector.shape_cast %reduce_sum3A_10 : vector<256xf32> to vector<256x1xf32>
    %mul3A_11 = arith.mulf %slice3A, %slice3A : vector<8192x3xf32>
    %reduce_sum3A_12 = arith.constant dense<0.000000e+00> : vector<8192xf32>
    %reduce_sum3A_13 = vector.multi_reduction <add>, %mul3A_11, %reduce_sum3A_12 [1] : vector<8192x3xf32> to vector<8192xf32>
    %broadcast_in_dim3A_14 = vector.shape_cast %reduce_sum3A_13 : vector<8192xf32> to vector<1x8192xf32>
    %dot_general3A = arith.constant dense<0.000000e+00> : vector<256x8192xf32>
    %dot_general3A_15 = tpu.matmul %slice3A_9, %slice3A, %dot_general3A {dimension_numbers = #tpu.dot_dimension_numbers<[1], [1], [0], [0], [0, 0, 1, 0], [], []>, transpose_lhs_hint = false} : vector<256x3xf32>, vector<8192x3xf32>, vector<256x8192xf32> -> vector<256x8192xf32>
    %add3A = vector.broadcast %broadcast_in_dim3A : vector<256x1xf32> to vector<256x8192xf32>
    %add3A_16 = vector.broadcast %broadcast_in_dim3A_14 : vector<1x8192xf32> to vector<256x8192xf32>
    %add3A_17 = arith.addf %add3A, %add3A_16 : vector<256x8192xf32>
    %mul3A_18 = arith.constant 2.000000e+00 : f32
    %mul3A_19 = vector.broadcast %mul3A_18 : f32 to vector<256x8192xf32>
    %mul3A_20 = arith.mulf %mul3A_19, %dot_general3A_15 : vector<256x8192xf32>
    %sub3A = arith.subf %add3A_17, %mul3A_20 : vector<256x8192xf32>
    %reshape3A = vector.shape_cast %sub3A : vector<256x8192xf32> to vector<2097152xf32>
    %swap3A = arith.constant 0 : index
    %swap3A_21 = vector.load %arg4[%swap3A] : memref<2097152xf32, #tpu.memory_space<vmem>>, vector<2097152xf32>
    tpu.vector_store %arg4[%swap3A], %reshape3A {strides = array<i32>} : memref<2097152xf32, #tpu.memory_space<vmem>>, vector<2097152xf32>,
    %slice3A_22 = vector.extract_strided_slice %sub3A {offsets = [0, 0], sizes = [256, 1024], strides = [1, 1]} : vector<256x8192xf32> to vector<256x1024xf32>
    %slice3A_23 = vector.extract_strided_slice %sub3A {offsets = [0, 1024], sizes = [256, 1024], strides = [1, 1]} : vector<256x8192xf32> to vector<256x1024xf32>
    %min3A = arith.minimumf %slice3A_22, %slice3A_23 : vector<256x1024xf32>
    %slice3A_24 = vector.extract_strided_slice %sub3A {offsets = [0, 2048], sizes = [256, 1024], strides = [1, 1]} : vector<256x8192xf32> to vector<256x1024xf32>
    %min3A_25 = arith.minimumf %min3A, %slice3A_24 : vector<256x1024xf32>
    %slice3A_26 = vector.extract_strided_slice %sub3A {offsets = [0, 3072], sizes = [256, 1024], strides = [1, 1]} : vector<256x8192xf32> to vector<256x1024xf32>
    %min3A_27 = arith.minimumf %min3A_25, %slice3A_26 : vector<256x1024xf32>
    %slice3A_28 = vector.extract_strided_slice %sub3A {offsets = [0, 4096], sizes = [256, 1024], strides = [1, 1]} : vector<256x8192xf32> to vector<256x1024xf32>
    %min3A_29 = arith.minimumf %min3A_27, %slice3A_28 : vector<256x1024xf32>
    %slice3A_30 = vector.extract_strided_slice %sub3A {offsets = [0, 5120], sizes = [256, 1024], strides = [1, 1]} : vector<256x8192xf32> to vector<256x1024xf32>
    %min3A_31 = arith.minimumf %min3A_29, %slice3A_30 : vector<256x1024xf32>
    %slice3A_32 = vector.extract_strided_slice %sub3A {offsets = [0, 6144], sizes = [256, 1024], strides = [1, 1]} : vector<256x8192xf32> to vector<256x1024xf32>
    %min3A_33 = arith.minimumf %min3A_31, %slice3A_32 : vector<256x1024xf32>
    %slice3A_34 = vector.extract_strided_slice %sub3A {offsets = [0, 7168], sizes = [256, 1024], strides = [1, 1]} : vector<256x8192xf32> to vector<256x1024xf32>
    %min3A_35 = arith.minimumf %min3A_33, %slice3A_34 : vector<256x1024xf32>
    %swap3A_36 = arith.constant 0 : index
    %swap3A_37 = arith.constant 0 : index
    %swap3A_38 = vector.load %arg7[%swap3A_36, %swap3A_37] : memref<256x1024xf32, #tpu.memory_space<vmem>>, vector<256x1024xf32>
    tpu.vector_store %arg7[%swap3A_36, %swap3A_37], %min3A_35 {strides = array<i32>} : memref<256x1024xf32, #tpu.memory_space<vmem>>, vector<256x1024xf32>,
    %iota3A = tpu.iota {dimensions = array<i32: 1>} : vector<256x1024xi32>
    %iota3A_39 = tpu.iota {dimensions = array<i32: 1>} : vector<256x32xi32>
    %broadcast_in_dim3A_40 = arith.constant -1 : i32
    %broadcast_in_dim3A_41 = vector.broadcast %broadcast_in_dim3A_40 : i32 to vector<256x1xi32>
    %broadcast_in_dim3A_42 = arith.constant 0 : i32
    %broadcast_in_dim3A_43 = vector.broadcast %broadcast_in_dim3A_42 : i32 to vector<256x32xi32>
    %scan3A = arith.constant 0 : i32
    %scan3A_44 = arith.constant 32 : i32
    %scan3A_45 = arith.addi %scan3A, %scan3A_44 : i32
    %scan3A_46 = arith.constant 1 : i32
    %scan3A_47:2 = scf.for %scan3A_100 = %scan3A to %scan3A_45 step %scan3A_46 iter_args(%scan3A_101 = %broadcast_in_dim3A_41, %scan3A_102 = %broadcast_in_dim3A_43) -> (vector<256x1xi32>, vector<256x32xi32>)  : i32 {
      %eq3A = vector.broadcast %scan3A_101 : vector<256x1xi32> to vector<256x1024xi32>
      %eq3A_103 = arith.cmpi eq, %iota3A, %eq3A : vector<256x1024xi32>
      %get3A_104 = arith.constant 0 : index
      %get3A_105 = arith.constant 0 : index
      %get3A_106 = vector.load %arg7[%get3A_104, %get3A_105] : memref<256x1024xf32, #tpu.memory_space<vmem>>, vector<256x1024xf32>
      %jit3A = arith.constant 0x7F800000 : f32
      %broadcast_in_dim3A_107 = vector.broadcast %jit3A : f32 to vector<256x1024xf32>
      %select_n3A = arith.select %eq3A_103, %broadcast_in_dim3A_107, %get3A_106 : vector<256x1024xi1>, vector<256x1024xf32>
      %swap3A_108 = arith.constant 0 : index
      %swap3A_109 = arith.constant 0 : index
      %swap3A_110 = vector.load %arg7[%swap3A_108, %swap3A_109] : memref<256x1024xf32, #tpu.memory_space<vmem>>, vector<256x1024xf32>
      tpu.vector_store %arg7[%swap3A_108, %swap3A_109], %select_n3A {strides = array<i32>} : memref<256x1024xf32, #tpu.memory_space<vmem>>, vector<256x1024xf32>,
      %reduce_min3A = arith.constant dense<0x7F800000> : vector<256xf32>
      %reduce_min3A_111 = vector.multi_reduction <minimumf>, %select_n3A, %reduce_min3A [1] : vector<256x1024xf32> to vector<256xf32>
      %broadcast_in_dim3A_112 = vector.shape_cast %reduce_min3A_111 : vector<256xf32> to vector<256x1xf32>
      %eq3A_113 = vector.broadcast %broadcast_in_dim3A_112 : vector<256x1xf32> to vector<256x1024xf32>
      %eq3A_114 = arith.cmpf oeq, %select_n3A, %eq3A_113 : vector<256x1024xf32>
      %jit3A_115 = arith.constant 1024 : i32
      %broadcast_in_dim3A_116 = vector.broadcast %jit3A_115 : i32 to vector<256x1024xi32>
      %select_n3A_117 = arith.select %eq3A_114, %iota3A, %broadcast_in_dim3A_116 : vector<256x1024xi1>, vector<256x1024xi32>
      %reduce_min3A_118 = arith.constant dense<2147483647> : vector<256xi32>
      %reduce_min3A_119 = vector.multi_reduction <minsi>, %select_n3A_117, %reduce_min3A_118 [1] : vector<256x1024xi32> to vector<256xi32>
      %broadcast_in_dim3A_120 = vector.shape_cast %reduce_min3A_119 : vector<256xi32> to vector<256x1xi32>
      %eq3A_121 = vector.broadcast %scan3A_100 : i32 to vector<256x32xi32>
      %eq3A_122 = arith.cmpi eq, %iota3A_39, %eq3A_121 : vector<256x32xi32>
      %broadcast_in_dim3A_123 = vector.shape_cast %broadcast_in_dim3A_120 : vector<256x1xi32> to vector<256x1xi32>
      %broadcast_in_dim3A_124 = vector.broadcast %broadcast_in_dim3A_123 : vector<256x1xi32> to vector<256x32xi32>
      %select_n3A_125 = arith.select %eq3A_122, %broadcast_in_dim3A_124, %scan3A_102 : vector<256x32xi1>, vector<256x32xi32>
      scf.yield %broadcast_in_dim3A_120, %select_n3A_125 : vector<256x1xi32>, vector<256x32xi32>
    }
    %scan3A_48 = arith.constant 32 : i32
    %add3A_49 = arith.constant 0 : i32
    %add3A_50 = vector.broadcast %add3A_49 : i32 to vector<256x32xi32>
    %add3A_51 = arith.addi %scan3A_47#1, %add3A_50 : vector<256x32xi32>
    %add3A_52 = arith.constant 1024 : i32
    %add3A_53 = vector.broadcast %add3A_52 : i32 to vector<256x32xi32>
    %add3A_54 = arith.addi %scan3A_47#1, %add3A_53 : vector<256x32xi32>
    %add3A_55 = arith.constant 2048 : i32
    %add3A_56 = vector.broadcast %add3A_55 : i32 to vector<256x32xi32>
    %add3A_57 = arith.addi %scan3A_47#1, %add3A_56 : vector<256x32xi32>
    %add3A_58 = arith.constant 3072 : i32
    %add3A_59 = vector.broadcast %add3A_58 : i32 to vector<256x32xi32>
    %add3A_60 = arith.addi %scan3A_47#1, %add3A_59 : vector<256x32xi32>
    %add3A_61 = arith.constant 4096 : i32
    %add3A_62 = vector.broadcast %add3A_61 : i32 to vector<256x32xi32>
    %add3A_63 = arith.addi %scan3A_47#1, %add3A_62 : vector<256x32xi32>
    %add3A_64 = arith.constant 5120 : i32
    %add3A_65 = vector.broadcast %add3A_64 : i32 to vector<256x32xi32>
    %add3A_66 = arith.addi %scan3A_47#1, %add3A_65 : vector<256x32xi32>
    %add3A_67 = arith.constant 6144 : i32
    %add3A_68 = vector.broadcast %add3A_67 : i32 to vector<256x32xi32>
    %add3A_69 = arith.addi %scan3A_47#1, %add3A_68 : vector<256x32xi32>
    %add3A_70 = arith.constant 7168 : i32
    %add3A_71 = vector.broadcast %add3A_70 : i32 to vector<256x32xi32>
    %add3A_72 = arith.addi %scan3A_47#1, %add3A_71 : vector<256x32xi32>
    %concatenate3A = tpu.concatenate %add3A_51, %add3A_54, %add3A_57, %add3A_60, %add3A_63, %add3A_66, %add3A_69, %add3A_72 in 1 : vector<256x32xi32>, vector<256x32xi32>, vector<256x32xi32>, vector<256x32xi32>, vector<256x32xi32>, vector<256x32xi32>, vector<256x32xi32>, vector<256x32xi32> -> vector<256x256xi32>
    %iota3A_73 = tpu.iota {dimensions = array<i32: 0>} : vector<256x1xi32>
    %mul3A_74 = arith.constant 16 : i32
    %mul3A_75 = arith.muli %arg0, %mul3A_74 : i32
    %mul3A_76 = arith.constant 256 : i32
    %mul3A_77 = arith.muli %mul3A_75, %mul3A_76 : i32
    %mul3A_78 = arith.constant 256 : i32
    %mul3A_79 = arith.muli %arg1, %mul3A_78 : i32
    %add3A_80 = arith.addi %mul3A_77, %mul3A_79 : i32
    %add3A_81 = vector.broadcast %add3A_80 : i32 to vector<256x1xi32>
    %add3A_82 = arith.addi %add3A_81, %iota3A_73 : vector<256x1xi32>
    %mul3A_83 = arith.constant 8192 : i32
    %mul3A_84 = vector.broadcast %mul3A_83 : i32 to vector<256x1xi32>
    %mul3A_85 = arith.muli %add3A_82, %mul3A_84 : vector<256x1xi32>
    %add3A_86 = vector.broadcast %mul3A_85 : vector<256x1xi32> to vector<256x256xi32>
    %add3A_87 = arith.addi %add3A_86, %concatenate3A : vector<256x256xi32>
    %swap3A_88 = arith.constant 0 : index
    %swap3A_89 = arith.constant 0 : index
    %swap3A_90 = arith.constant 0 : index
    %swap3A_91 = vector.load %arg5[%swap3A_88, %swap3A_89, %swap3A_90] : memref<1x256x256xi32, #tpu.memory_space<vmem>>, vector<1x256x256xi32>
    %swap3A_92 = vector.shape_cast %swap3A_91 : vector<1x256x256xi32> to vector<256x256xi32>
    %swap3A_93 = vector.shape_cast %add3A_87 : vector<256x256xi32> to vector<1x256x256xi32>
    tpu.vector_store %arg5[%swap3A_88, %swap3A_89, %swap3A_90], %swap3A_93 {strides = array<i32>} : memref<1x256x256xi32, #tpu.memory_space<vmem>>, vector<1x256x256xi32>,
    %swap3A_94 = arith.constant 0 : index
    %swap3A_95 = arith.constant 0 : index
    %swap3A_96 = arith.constant 0 : index
    %swap3A_97 = vector.load %arg6[%swap3A_94, %swap3A_95, %swap3A_96] : memref<1x256x256xi32, #tpu.memory_space<vmem>>, vector<1x256x256xi32>
    %swap3A_98 = vector.shape_cast %swap3A_97 : vector<1x256x256xi32> to vector<256x256xi32>
    %swap3A_99 = vector.shape_cast %concatenate3A : vector<256x256xi32> to vector<1x256x256xi32>
    tpu.vector_store %arg6[%swap3A_94, %swap3A_95, %swap3A_96], %swap3A_99 {strides = array<i32>} : memref<1x256x256xi32, #tpu.memory_space<vmem>>, vector<1x256x256xi32>,
    return
  }
  func.func @transform_0(%arg0: i32, %arg1: i32) -> (i32, i32, i32) {
    %c0_i32 = arith.constant 0 : i32
    %c0_i32_0 = arith.constant 0 : i32
    %c0_i32_1 = arith.constant 0 : i32
    return %arg0, %c0_i32, %c0_i32_0 : i32, i32, i32
  }
  func.func @transform_1(%arg0: i32, %arg1: i32) -> (i32, i32, i32) {
    %c0_i32 = arith.constant 0 : i32
    %c0_i32_0 = arith.constant 0 : i32
    return %arg0, %arg1, %c0_i32 : i32, i32, i32
  }
  func.func @transform_2(%arg0: i32, %arg1: i32) -> i32 {
    %mul3A = arith.constant 16 : i32
    %mul3A_0 = arith.muli %arg0, %mul3A : i32
    %add3A = arith.addi %mul3A_0, %arg1 : i32
    %c0_i32 = arith.constant 0 : i32
    return %add3A : i32
  }
  func.func @transform_3(%arg0: i32, %arg1: i32) -> (i32, i32, i32) {
    %c0_i32 = arith.constant 0 : i32
    %c0_i32_0 = arith.constant 0 : i32
    return %arg0, %arg1, %c0_i32 : i32, i32, i32
  }
  func.func @transform_4(%arg0: i32, %arg1: i32) -> (i32, i32, i32) {
    %c0_i32 = arith.constant 0 : i32
    %c0_i32_0 = arith.constant 0 : i32
    return %arg0, %arg1, %c0_i32 : i32, i32, i32
  }
}

module attributes {stable_mosaic.version = 14 : i64} {
  func.func @_topk_kernel(%arg0: i32, %arg1: i32, %arg2: memref<1x1024x256xf32, #tpu.memory_space<vmem>>, %arg3: memref<1x1024x256xi32, #tpu.memory_space<vmem>>, %arg4: memref<1x1024x128xi32, #tpu.memory_space<vmem>>) attributes {dimension_semantics = [#tpu.dimension_semantics<arbitrary>, #tpu.dimension_semantics<arbitrary>], iteration_bounds = array<i64: 2, 4>, scalar_prefetch = 0 : i64, scratch_operands = 0 : i64, tpu.core_type = #tpu.core_type<tc>, window_params = [{transform_indices = @transform_0, window_bounds = array<i64: 1, 1024, 256>}, {transform_indices = @transform_1, window_bounds = array<i64: 1, 1024, 256>}, {transform_indices = @transform_2, window_bounds = array<i64: 1, 1024, 128>}]} {
    %get3A = arith.constant 0 : index
    %get3A_0 = arith.constant 0 : index
    %get3A_1 = arith.constant 0 : index
    %get3A_2 = vector.load %arg2[%get3A, %get3A_0, %get3A_1] : memref<1x1024x256xf32, #tpu.memory_space<vmem>>, vector<1x1024x256xf32>
    %get3A_3 = vector.shape_cast %get3A_2 : vector<1x1024x256xf32> to vector<1024x256xf32>
    %get3A_4 = arith.constant 0 : index
    %get3A_5 = arith.constant 0 : index
    %get3A_6 = arith.constant 0 : index
    %get3A_7 = vector.load %arg3[%get3A_4, %get3A_5, %get3A_6] : memref<1x1024x256xi32, #tpu.memory_space<vmem>>, vector<1x1024x256xi32>
    %get3A_8 = vector.shape_cast %get3A_7 : vector<1x1024x256xi32> to vector<1024x256xi32>
    %iota3A = tpu.iota {dimensions = array<i32: 1>} : vector<1024x128xi32>
    %mul3A = arith.constant 8192 : i32
    %mul3A_9 = arith.muli %arg0, %mul3A : i32
    %broadcast_in_dim3A = arith.constant 0xFF800000 : f32
    %broadcast_in_dim3A_10 = vector.broadcast %broadcast_in_dim3A : f32 to vector<1024x1xf32>
    %broadcast_in_dim3A_11 = arith.constant -1 : i32
    %broadcast_in_dim3A_12 = vector.broadcast %broadcast_in_dim3A_11 : i32 to vector<1024x1xi32>
    %broadcast_in_dim3A_13 = arith.constant 0 : i32
    %broadcast_in_dim3A_14 = vector.broadcast %broadcast_in_dim3A_13 : i32 to vector<1024x128xi32>
    %scan3A = arith.constant 0 : i32
    %scan3A_15 = arith.constant 32 : i32
    %scan3A_16 = arith.addi %scan3A, %scan3A_15 : i32
    %scan3A_17 = arith.constant 1 : i32
    %scan3A_18:3 = scf.for %scan3A_25 = %scan3A to %scan3A_16 step %scan3A_17 iter_args(%scan3A_26 = %broadcast_in_dim3A_10, %scan3A_27 = %broadcast_in_dim3A_12, %scan3A_28 = %broadcast_in_dim3A_14) -> (vector<1024x1xf32>, vector<1024x1xi32>, vector<1024x128xi32>)  : i32 {
      %gt3A = vector.broadcast %scan3A_26 : vector<1024x1xf32> to vector<1024x256xf32>
      %gt3A_29 = arith.cmpf ogt, %get3A_3, %gt3A : vector<1024x256xf32>
      %eq3A = vector.broadcast %scan3A_26 : vector<1024x1xf32> to vector<1024x256xf32>
      %eq3A_30 = arith.cmpf oeq, %get3A_3, %eq3A : vector<1024x256xf32>
      %gt3A_31 = vector.broadcast %scan3A_27 : vector<1024x1xi32> to vector<1024x256xi32>
      %gt3A_32 = arith.cmpi sgt, %get3A_8, %gt3A_31 : vector<1024x256xi32>
      %and3A = arith.andi %eq3A_30, %gt3A_32 : vector<1024x256xi1>
      %or3A = arith.ori %gt3A_29, %and3A : vector<1024x256xi1>
      %jit3A = arith.constant 0x7F800000 : f32
      %broadcast_in_dim3A_33 = vector.broadcast %jit3A : f32 to vector<1024x256xf32>
      %select_n3A = arith.select %or3A, %get3A_3, %broadcast_in_dim3A_33 : vector<1024x256xi1>, vector<1024x256xf32>
      %reduce_min3A = arith.constant dense<0x7F800000> : vector<1024xf32>
      %reduce_min3A_34 = vector.multi_reduction <minimumf>, %select_n3A, %reduce_min3A [1] : vector<1024x256xf32> to vector<1024xf32>
      %broadcast_in_dim3A_35 = vector.shape_cast %reduce_min3A_34 : vector<1024xf32> to vector<1024x1xf32>
      %eq3A_36 = vector.broadcast %broadcast_in_dim3A_35 : vector<1024x1xf32> to vector<1024x256xf32>
      %eq3A_37 = arith.cmpf oeq, %select_n3A, %eq3A_36 : vector<1024x256xf32>
      %jit3A_38 = arith.constant 8192 : i32
      %broadcast_in_dim3A_39 = vector.broadcast %jit3A_38 : i32 to vector<1024x256xi32>
      %select_n3A_40 = arith.select %eq3A_37, %get3A_8, %broadcast_in_dim3A_39 : vector<1024x256xi1>, vector<1024x256xi32>
      %reduce_min3A_41 = arith.constant dense<2147483647> : vector<1024xi32>
      %reduce_min3A_42 = vector.multi_reduction <minsi>, %select_n3A_40, %reduce_min3A_41 [1] : vector<1024x256xi32> to vector<1024xi32>
      %broadcast_in_dim3A_43 = vector.shape_cast %reduce_min3A_42 : vector<1024xi32> to vector<1024x1xi32>
      %add3A = vector.broadcast %mul3A_9 : i32 to vector<1024x1xi32>
      %add3A_44 = arith.addi %broadcast_in_dim3A_43, %add3A : vector<1024x1xi32>
      %mul3A_45 = arith.constant 4 : i32
      %mul3A_46 = vector.broadcast %mul3A_45 : i32 to vector<1024x1xi32>
      %mul3A_47 = arith.muli %add3A_44, %mul3A_46 : vector<1024x1xi32>
      %and3A_48 = arith.constant 3 : i32
      %and3A_49 = vector.broadcast %and3A_48 : i32 to vector<1024x128xi32>
      %and3A_50 = arith.andi %iota3A, %and3A_49 : vector<1024x128xi32>
      %add3A_51 = vector.broadcast %mul3A_47 : vector<1024x1xi32> to vector<1024x128xi32>
      %add3A_52 = arith.addi %add3A_51, %and3A_50 : vector<1024x128xi32>
      %jit3A_53 = arith.constant 4 : i32
      %div3A = vector.broadcast %jit3A_53 : i32 to vector<1024x128xi32>
      %div3A_54 = arith.divsi %iota3A, %div3A : vector<1024x128xi32>
      %sign3A = arith.constant 0 : i32
      %sign3A_55 = vector.broadcast %sign3A : i32 to vector<1024x128xi32>
      %sign3A_56 = arith.cmpi sgt, %iota3A, %sign3A_55 : vector<1024x128xi32>
      %sign3A_57 = arith.extui %sign3A_56 : vector<1024x128xi1> to vector<1024x128xi32>
      %sign3A_58 = arith.constant 0 : i32
      %sign3A_59 = vector.broadcast %sign3A_58 : i32 to vector<1024x128xi32>
      %sign3A_60 = arith.cmpi slt, %iota3A, %sign3A_59 : vector<1024x128xi32>
      %sign3A_61 = arith.extui %sign3A_60 : vector<1024x128xi1> to vector<1024x128xi32>
      %sign3A_62 = arith.subi %sign3A_57, %sign3A_61 : vector<1024x128xi32>
      %sign3A_63 = arith.constant 0 : i32
      %sign3A_64 = arith.cmpi sgt, %jit3A_53, %sign3A_63 : i32
      %sign3A_65 = arith.extui %sign3A_64 : i1 to i32
      %sign3A_66 = arith.constant 0 : i32
      %sign3A_67 = arith.cmpi slt, %jit3A_53, %sign3A_66 : i32
      %sign3A_68 = arith.extui %sign3A_67 : i1 to i32
      %sign3A_69 = arith.subi %sign3A_65, %sign3A_68 : i32
      %ne3A = vector.broadcast %sign3A_69 : i32 to vector<1024x128xi32>
      %ne3A_70 = arith.cmpi ne, %sign3A_62, %ne3A : vector<1024x128xi32>
      %rem3A = vector.broadcast %jit3A_53 : i32 to vector<1024x128xi32>
      %rem3A_71 = arith.remsi %iota3A, %rem3A : vector<1024x128xi32>
      %ne3A_72 = arith.constant 0 : i32
      %ne3A_73 = vector.broadcast %ne3A_72 : i32 to vector<1024x128xi32>
      %ne3A_74 = arith.cmpi ne, %rem3A_71, %ne3A_73 : vector<1024x128xi32>
      %and3A_75 = arith.andi %ne3A_70, %ne3A_74 : vector<1024x128xi1>
      %sub3A = arith.constant 1 : i32
      %sub3A_76 = vector.broadcast %sub3A : i32 to vector<1024x128xi32>
      %sub3A_77 = arith.subi %div3A_54, %sub3A_76 : vector<1024x128xi32>
      %select_n3A_78 = arith.select %and3A_75, %sub3A_77, %div3A_54 : vector<1024x128xi1>, vector<1024x128xi32>
      %eq3A_79 = vector.broadcast %scan3A_25 : i32 to vector<1024x128xi32>
      %eq3A_80 = arith.cmpi eq, %select_n3A_78, %eq3A_79 : vector<1024x128xi32>
      %select_n3A_81 = arith.select %eq3A_80, %add3A_52, %scan3A_28 : vector<1024x128xi1>, vector<1024x128xi32>
      scf.yield %broadcast_in_dim3A_35, %broadcast_in_dim3A_43, %select_n3A_81 : vector<1024x1xf32>, vector<1024x1xi32>, vector<1024x128xi32>
    }
    %scan3A_19 = arith.constant 32 : i32
    %swap3A = arith.constant 0 : index
    %swap3A_20 = arith.constant 0 : index
    %swap3A_21 = arith.constant 0 : index
    %swap3A_22 = vector.load %arg4[%swap3A, %swap3A_20, %swap3A_21] : memref<1x1024x128xi32, #tpu.memory_space<vmem>>, vector<1x1024x128xi32>
    %swap3A_23 = vector.shape_cast %swap3A_22 : vector<1x1024x128xi32> to vector<1024x128xi32>
    %swap3A_24 = vector.shape_cast %scan3A_18#2 : vector<1024x128xi32> to vector<1x1024x128xi32>
    tpu.vector_store %arg4[%swap3A, %swap3A_20, %swap3A_21], %swap3A_24 {strides = array<i32>} : memref<1x1024x128xi32, #tpu.memory_space<vmem>>, vector<1x1024x128xi32>,
    return
  }
  func.func @transform_0(%arg0: i32, %arg1: i32) -> (i32, i32, i32) {
    %c0_i32 = arith.constant 0 : i32
    %c0_i32_0 = arith.constant 0 : i32
    return %arg0, %arg1, %c0_i32 : i32, i32, i32
  }
  func.func @transform_1(%arg0: i32, %arg1: i32) -> (i32, i32, i32) {
    %c0_i32 = arith.constant 0 : i32
    %c0_i32_0 = arith.constant 0 : i32
    return %arg0, %arg1, %c0_i32 : i32, i32, i32
  }
  func.func @transform_2(%arg0: i32, %arg1: i32) -> (i32, i32, i32) {
    %c0_i32 = arith.constant 0 : i32
    %c0_i32_0 = arith.constant 0 : i32
    return %arg0, %arg1, %c0_i32 : i32, i32, i32
  }
}

module attributes {stable_mosaic.version = 14 : i64} {
  func.func @_mlp_kernel(%arg0: i32, %arg1: i32, %arg2: memref<1x16384x4xf32, #tpu.memory_space<vmem>>, %arg3: memref<1x512x4xf32, #tpu.memory_space<vmem>>, %arg4: memref<3x16xf32, #tpu.memory_space<vmem>>, %arg5: memref<1x16xf32, #tpu.memory_space<vmem>>, %arg6: memref<16x32xf32, #tpu.memory_space<vmem>>, %arg7: memref<1x32xf32, #tpu.memory_space<vmem>>, %arg8: memref<1x32xf32, #tpu.memory_space<vmem>>, %arg9: memref<1x512x32xf32, #tpu.memory_space<vmem>>) attributes {dimension_semantics = [#tpu.dimension_semantics<arbitrary>, #tpu.dimension_semantics<arbitrary>], iteration_bounds = array<i64: 2, 8>, scalar_prefetch = 0 : i64, scratch_operands = 0 : i64, tpu.core_type = #tpu.core_type<tc>, window_params = [{transform_indices = @transform_0, window_bounds = array<i64: 1, 16384, 4>}, {transform_indices = @transform_1, window_bounds = array<i64: 1, 512, 4>}, {pipeline_mode = #tpu.pipeline_mode<synchronous>, transform_indices = @transform_2, window_bounds = array<i64: 3, 16>}, {pipeline_mode = #tpu.pipeline_mode<synchronous>, transform_indices = @transform_3, window_bounds = array<i64: 1, 16>}, {pipeline_mode = #tpu.pipeline_mode<synchronous>, transform_indices = @transform_4, window_bounds = array<i64: 16, 32>}, {pipeline_mode = #tpu.pipeline_mode<synchronous>, transform_indices = @transform_5, window_bounds = array<i64: 1, 32>}, {pipeline_mode = #tpu.pipeline_mode<synchronous>, transform_indices = @transform_6, window_bounds = array<i64: 1, 32>}, {transform_indices = @transform_7, window_bounds = array<i64: 1, 512, 32>}]} {
    %get3A = arith.constant 0 : index
    %get3A_0 = arith.constant 0 : index
    %get3A_1 = arith.constant 0 : index
    %get3A_2 = vector.load %arg2[%get3A, %get3A_0, %get3A_1] : memref<1x16384x4xf32, #tpu.memory_space<vmem>>, vector<1x16384x4xf32>
    %get3A_3 = vector.shape_cast %get3A_2 : vector<1x16384x4xf32> to vector<16384x4xf32>
    %get3A_4 = arith.constant 0 : index
    %get3A_5 = arith.constant 0 : index
    %get3A_6 = arith.constant 0 : index
    %get3A_7 = vector.load %arg3[%get3A_4, %get3A_5, %get3A_6] : memref<1x512x4xf32, #tpu.memory_space<vmem>>, vector<1x512x4xf32>
    %get3A_8 = vector.shape_cast %get3A_7 : vector<1x512x4xf32> to vector<512x4xf32>
    %slice3A = vector.extract_strided_slice %get3A_8 {offsets = [0, 0], sizes = [512, 3], strides = [1, 1]} : vector<512x4xf32> to vector<512x3xf32>
    %slice3A_9 = vector.extract_strided_slice %get3A_3 {offsets = [0, 0], sizes = [16384, 3], strides = [1, 1]} : vector<16384x4xf32> to vector<16384x3xf32>
    %reshape3A = vector.shape_cast %slice3A_9 : vector<16384x3xf32> to vector<512x32x3xf32>
    %broadcast_in_dim3A = vector.shape_cast %slice3A : vector<512x3xf32> to vector<512x1x3xf32>
    %sub3A = vector.broadcast %broadcast_in_dim3A : vector<512x1x3xf32> to vector<512x32x3xf32>
    %sub3A_10 = arith.subf %reshape3A, %sub3A : vector<512x32x3xf32>
    %div3A = arith.constant 0.00999999977 : f32
    %div3A_11 = vector.broadcast %div3A : f32 to vector<512x32x3xf32>
    %div3A_12 = arith.divf %sub3A_10, %div3A_11 : vector<512x32x3xf32>
    %reshape3A_13 = vector.shape_cast %div3A_12 : vector<512x32x3xf32> to vector<16384x3xf32>
    %convert_element_type3A = arith.truncf %reshape3A_13 : vector<16384x3xf32> to vector<16384x3xbf16>
    %get3A_14 = arith.constant 0 : index
    %get3A_15 = arith.constant 0 : index
    %get3A_16 = vector.load %arg4[%get3A_14, %get3A_15] : memref<3x16xf32, #tpu.memory_space<vmem>>, vector<3x16xf32>
    %convert_element_type3A_17 = arith.truncf %get3A_16 : vector<3x16xf32> to vector<3x16xbf16>
    %dot_general3A = arith.constant dense<0.000000e+00> : vector<16384x16xf32>
    %dot_general3A_18 = tpu.matmul %convert_element_type3A, %convert_element_type3A_17, %dot_general3A {dimension_numbers = #tpu.dot_dimension_numbers<[1], [0], [0], [1], [0, 0, 1, 1], [], []>, transpose_lhs_hint = false} : vector<16384x3xbf16>, vector<3x16xbf16>, vector<16384x16xf32> -> vector<16384x16xf32>
    %get3A_19 = arith.constant 0 : index
    %get3A_20 = arith.constant 0 : index
    %get3A_21 = vector.load %arg5[%get3A_19, %get3A_20] : memref<1x16xf32, #tpu.memory_space<vmem>>, vector<1x16xf32>
    %get3A_22 = vector.shape_cast %get3A_21 : vector<1x16xf32> to vector<16xf32>
    %broadcast_in_dim3A_23 = vector.shape_cast %get3A_22 : vector<16xf32> to vector<1x16xf32>
    %add3A = vector.broadcast %broadcast_in_dim3A_23 : vector<1x16xf32> to vector<16384x16xf32>
    %add3A_24 = arith.addf %dot_general3A_18, %add3A : vector<16384x16xf32>
    %max3A = arith.constant 0.000000e+00 : f32
    %max3A_25 = vector.broadcast %max3A : f32 to vector<16384x16xf32>
    %max3A_26 = arith.maximumf %add3A_24, %max3A_25 : vector<16384x16xf32>
    %convert_element_type3A_27 = arith.truncf %max3A_26 : vector<16384x16xf32> to vector<16384x16xbf16>
    %get3A_28 = arith.constant 0 : index
    %get3A_29 = arith.constant 0 : index
    %get3A_30 = vector.load %arg6[%get3A_28, %get3A_29] : memref<16x32xf32, #tpu.memory_space<vmem>>, vector<16x32xf32>
    %convert_element_type3A_31 = arith.truncf %get3A_30 : vector<16x32xf32> to vector<16x32xbf16>
    %dot_general3A_32 = arith.constant dense<0.000000e+00> : vector<16384x32xf32>
    %dot_general3A_33 = tpu.matmul %convert_element_type3A_27, %convert_element_type3A_31, %dot_general3A_32 {dimension_numbers = #tpu.dot_dimension_numbers<[1], [0], [0], [1], [0, 0, 1, 1], [], []>, transpose_lhs_hint = false} : vector<16384x16xbf16>, vector<16x32xbf16>, vector<16384x32xf32> -> vector<16384x32xf32>
    %get3A_34 = arith.constant 0 : index
    %get3A_35 = arith.constant 0 : index
    %get3A_36 = vector.load %arg7[%get3A_34, %get3A_35] : memref<1x32xf32, #tpu.memory_space<vmem>>, vector<1x32xf32>
    %get3A_37 = vector.shape_cast %get3A_36 : vector<1x32xf32> to vector<32xf32>
    %broadcast_in_dim3A_38 = vector.shape_cast %get3A_37 : vector<32xf32> to vector<1x32xf32>
    %add3A_39 = vector.broadcast %broadcast_in_dim3A_38 : vector<1x32xf32> to vector<16384x32xf32>
    %add3A_40 = arith.addf %dot_general3A_33, %add3A_39 : vector<16384x32xf32>
    %slice3A_41 = vector.extract_strided_slice %get3A_3 {offsets = [0, 3], sizes = [16384, 1], strides = [1, 1]} : vector<16384x4xf32> to vector<16384x1xf32>
    %mul3A = vector.broadcast %slice3A_41 : vector<16384x1xf32> to vector<16384x32xf32>
    %mul3A_42 = arith.mulf %add3A_40, %mul3A : vector<16384x32xf32>
    %reshape3A_43 = vector.shape_cast %mul3A_42 : vector<16384x32xf32> to vector<512x32x32xf32>
    %reduce_sum3A = arith.constant dense<0.000000e+00> : vector<512x32xf32>
    %reduce_sum3A_44 = vector.multi_reduction <add>, %reshape3A_43, %reduce_sum3A [1] : vector<512x32x32xf32> to vector<512x32xf32>
    %div3A_45 = arith.constant 3.200000e+01 : f32
    %div3A_46 = vector.broadcast %div3A_45 : f32 to vector<512x32xf32>
    %div3A_47 = arith.divf %reduce_sum3A_44, %div3A_46 : vector<512x32xf32>
    %get3A_48 = arith.constant 0 : index
    %get3A_49 = arith.constant 0 : index
    %get3A_50 = vector.load %arg8[%get3A_48, %get3A_49] : memref<1x32xf32, #tpu.memory_space<vmem>>, vector<1x32xf32>
    %get3A_51 = vector.shape_cast %get3A_50 : vector<1x32xf32> to vector<32xf32>
    %broadcast_in_dim3A_52 = vector.shape_cast %get3A_51 : vector<32xf32> to vector<1x32xf32>
    %add3A_53 = vector.broadcast %broadcast_in_dim3A_52 : vector<1x32xf32> to vector<512x32xf32>
    %add3A_54 = arith.addf %div3A_47, %add3A_53 : vector<512x32xf32>
    %swap3A = arith.constant 0 : index
    %swap3A_55 = arith.constant 0 : index
    %swap3A_56 = arith.constant 0 : index
    %swap3A_57 = vector.load %arg9[%swap3A, %swap3A_55, %swap3A_56] : memref<1x512x32xf32, #tpu.memory_space<vmem>>, vector<1x512x32xf32>
    %swap3A_58 = vector.shape_cast %swap3A_57 : vector<1x512x32xf32> to vector<512x32xf32>
    %swap3A_59 = vector.shape_cast %add3A_54 : vector<512x32xf32> to vector<1x512x32xf32>
    tpu.vector_store %arg9[%swap3A, %swap3A_55, %swap3A_56], %swap3A_59 {strides = array<i32>} : memref<1x512x32xf32, #tpu.memory_space<vmem>>, vector<1x512x32xf32>,
    return
  }
  func.func @transform_0(%arg0: i32, %arg1: i32) -> (i32, i32, i32) {
    %c0_i32 = arith.constant 0 : i32
    %c0_i32_0 = arith.constant 0 : i32
    return %arg0, %arg1, %c0_i32 : i32, i32, i32
  }
  func.func @transform_1(%arg0: i32, %arg1: i32) -> (i32, i32, i32) {
    %c0_i32 = arith.constant 0 : i32
    %c0_i32_0 = arith.constant 0 : i32
    return %arg0, %arg1, %c0_i32 : i32, i32, i32
  }
  func.func @transform_2(%arg0: i32, %arg1: i32) -> (i32, i32) {
    %c0_i32 = arith.constant 0 : i32
    %c0_i32_0 = arith.constant 0 : i32
    %c0_i32_1 = arith.constant 0 : i32
    return %c0_i32, %c0_i32_0 : i32, i32
  }
  func.func @transform_3(%arg0: i32, %arg1: i32) -> (i32, i32) {
    %c0_i32 = arith.constant 0 : i32
    %c0_i32_0 = arith.constant 0 : i32
    %c0_i32_1 = arith.constant 0 : i32
    return %c0_i32, %c0_i32_0 : i32, i32
  }
  func.func @transform_4(%arg0: i32, %arg1: i32) -> (i32, i32) {
    %c0_i32 = arith.constant 0 : i32
    %c0_i32_0 = arith.constant 0 : i32
    %c0_i32_1 = arith.constant 0 : i32
    return %c0_i32, %c0_i32_0 : i32, i32
  }
  func.func @transform_5(%arg0: i32, %arg1: i32) -> (i32, i32) {
    %c0_i32 = arith.constant 0 : i32
    %c0_i32_0 = arith.constant 0 : i32
    %c0_i32_1 = arith.constant 0 : i32
    return %c0_i32, %c0_i32_0 : i32, i32
  }
  func.func @transform_6(%arg0: i32, %arg1: i32) -> (i32, i32) {
    %c0_i32 = arith.constant 0 : i32
    %c0_i32_0 = arith.constant 0 : i32
    %c0_i32_1 = arith.constant 0 : i32
    return %c0_i32, %c0_i32_0 : i32, i32
  }
  func.func @transform_7(%arg0: i32, %arg1: i32) -> (i32, i32, i32) {
    %c0_i32 = arith.constant 0 : i32
    %c0_i32_0 = arith.constant 0 : i32
    return %arg0, %arg1, %c0_i32 : i32, i32, i32
  }
}

</mosaic_0001>

<sc_bundles>
// kernel: kernel.10.cloned.1.call-start
scs
__scs_entry_jumppad:
0x0: {  	(pc) =	sbr.rel $0x88, $3  }
0x1: {  	(tag) =	ssettag $0x0;
	lr =	simm.s32 $0x1  }
0x2: {  	[smem:$0x3F9B] =	sst lr;
	_ =	strace $0xD0000000  }
0x3: {  	_ = 	snop  }
0x4: {  	_ = 	snop  }
0x5: {  	_ = 	snop  }
0x6: {  	_ = 	snop  }
0x7: {  	_ = 	snop  }
__scs_overlays_trampoline_lowered:
0x8: {  	[smem:$0x3FAA] =	sst s0  }
0x9: {  	[smem:$0x3FAB] =	sst s1  }
0xa: {  	[smem:$0x3FAC] =	sst s2  }
0xb: {  	[smem:$0x3FAD] =	sst s3  }
0xc: {  	[smem:$0x3FAE] =	sst s4  }
0xd: {  	[smem:$0x3FAF] =	sst s5  }
0xe: {  	[smem:$0x3FB0] =	sst s6  }
0xf: {  	[smem:$0x3FB1] =	sst s7  }
0x10: {  	[smem:$0x3FB2] =	sst s8  }
0x11: {  	[smem:$0x3FB3] =	sst s9;
	s0 =	simm.s32 @!p0 $0x0  }
0x12: {  	s1 =	sld [smem:$0x3F99];
	s0 =	simm.s32 @p0 $0x1  }
0x13: {  	[smem:$0x3FB4] =	sst s0;
	s0 =	simm.s32 @!p1 $0x0  }
0x14: {  	s2 =	sld [smem:$0x3F98];
	s0 =	simm.s32 @p1 $0x1  }
0x15: {  	[smem:$0x3FB5] =	sst s0;
	s0 =	simm.s32 @!p2 $0x0  }
0x16: {  	s3 =	sld [smem:$0x3FDB];
	s0 =	simm.s32 @p2 $0x1  }
0x17: {  	s4 =	simm.s32 $0x1BF5;
	[smem:$0x3FB7] =	sst s0  }
0x18: {  	s0 =	sld [smem:$0x3F9A];
	_ =	swait.ge [sflag:s4], $0x0  }
0x19: {  	s7 =	sld [smem:$0x3F9B]  }
0x1a: {  	s8 =	sadd.s32 $0xFFFFE003, lr  }
0x1b: {  	s9 =	sadd.s32 $0xFFFFFEF7, lr;
	s5 =	simm.s32 $0xFFFFFFFF;
	p2 =	slt.u32 s8, $0xFFFFF086  }
0x1c: {  	p1 =	slt.u32 s9, $0xF7A;
	s5 =	simm.s32 @!p2 $0x0  }
0x1d: {  	s5 =	simm.s32 @p1 $0x1;
	p0 =	seq.s32 s7, s2  }
0x1e: {  	s7 =	smul.u32 @!p0 $0xF7A, s2;
	p2 =	seq.s32 @!p0 s5, $0x0  }
0x1f: {  	s9 =	smul.u32 $0xF7A, s1;
	s8 =	simm.s32 @!p0 $0x1BF5;
	p2 =	por !p2, p0  }
0x20: {  	[sflag:s8] =	ssyncset.s32 @!p0 $0xFFFFF086;
	s6 =	sadd.s32 @!p0 s3, s7;
	s7 =	simm.s32 @!p0 $0x108  }
0x21: {  	s3 =	sadd.s32 s3, s9;
	s6 =	sadd.s32 @!p0 $0x88, s6;
	s7 =	simm.s32 @p2 $0x1082  }
0x22: {  	[simem:s7], [sflag:s8] =	dma.local @!p0 [hbm:s6], $0xF7A  }
0x23: {  	s9 =	sor.u32 $0xD0000000, s2;
	s6 =	simm.s32 $0x108;
	_ =	swait.ge @!p0 [sflag:s8], $0x0  }
0x24: {  	s3 =	sadd.s32 $0x88, s3;
	s6 =	simm.s32 @!p1 $0x1082;
	[sflag:s4] =	ssyncset.s32 $0xFFFFF086  }
0x25: {  	[simem:s6], [sflag:s4] =	dma.local [hbm:s3], $0xF7A  }
0x26: {  	[smem:$0x3F9B] =	sst s1;
	(tag) =	ssettag s2;
	_ =	strace s9  }
0x27: {  	s1 =	sld [smem:$0x3FAB]  }
0x28: {  	s2 =	sld [smem:$0x3FAC]  }
0x29: {  	s4 =	sld [smem:$0x3FAE]  }
0x2a: {  	p0 =	seq.s32 s5, $0x0;
	s5 =	sld [smem:$0x3FAF]  }
0x2b: {  	s6 =	sld [smem:$0x3FB0]  }
0x2c: {  	s7 =	sld [smem:$0x3FB1]  }
0x2d: {  	s3 =	simm.s32 $0x108;
	s8 =	sld [smem:$0x3FB2]  }
0x2e: {  	s3 =	simm.s32 @!p0 $0x1082;
	s9 =	sld [smem:$0x3FB3]  }
0x2f: {  	lr =	sadd.s32 s0, s3;
	s0 =	sld [smem:$0x3FAA]  }
0x30: {  	s3 =	sld [smem:$0x3FAD]  }
0x31: {  	[smem:$0x3FB6] =	sst s10  }
0x32: {  	s10 =	sld [smem:$0x3FB4];
	_ =	sdelay $0x3  }
0x33: {  	p0 =	seq.s32 s10, $0x1;
	s10 =	sld [smem:$0x3FB6];
	_ =	sdelay $0x3  }
0x34: {  	[smem:$0x3FB6] =	sst s10  }
0x35: {  	s10 =	sld [smem:$0x3FB5];
	_ =	sdelay $0x3  }
0x36: {  	p1 =	seq.s32 s10, $0x1;
	s10 =	sld [smem:$0x3FB6];
	_ =	sdelay $0x3  }
0x37: {  	[smem:$0x3FB6] =	sst s10  }
0x38: {  	s10 =	sld [smem:$0x3FB7]  }
0x39: {  	_ = 	snop;
	(pc) =	sbr.ind lr, $3  }
0x3a: {  	_ = 	snop  }
0x3b: {  	_ = 	snop  }
0x3c: {  	p2 =	seq.s32 s10, $0x1;
	s10 =	sld [smem:$0x3FB6]  }
0x3d: {  	_ =	shalt  }
0x3e: {  	_ =	shalt  }
0x3f: {  	_ =	shalt  }
0x40: {  	_ =	shalt  }
0x41: {  	_ =	shalt  }
0x42: {  	_ =	shalt  }
0x43: {  	_ =	shalt  }
0x44: {  	_ =	shalt  }
0x45: {  	_ =	shalt  }
0x46: {  	_ =	shalt  }
0x47: {  	_ =	shalt  }
0x48: {  	_ =	shalt  }
0x49: {  	_ =	shalt  }
0x4a: {  	_ =	shalt  }
0x4b: {  	_ =	shalt  }
0x4c: {  	_ =	shalt  }
0x4d: {  	_ =	shalt  }
0x4e: {  	_ =	shalt  }
0x4f: {  	_ =	shalt  }
0x50: {  	_ =	shalt  }
0x51: {  	_ =	shalt  }
0x52: {  	_ =	shalt  }
0x53: {  	_ =	shalt  }
0x54: {  	_ =	shalt  }
0x55: {  	_ =	shalt  }
0x56: {  	_ =	shalt  }
0x57: {  	_ =	shalt  }
0x58: {  	_ =	shalt  }
0x59: {  	_ =	shalt  }
0x5a: {  	_ =	shalt  }
0x5b: {  	_ =	shalt  }
0x5c: {  	_ =	shalt  }
0x5d: {  	_ =	shalt  }
0x5e: {  	_ =	shalt  }
0x5f: {  	_ =	shalt  }
0x60: {  	_ =	shalt  }
0x61: {  	_ =	shalt  }
0x62: {  	_ =	shalt  }
0x63: {  	_ =	shalt  }
0x64: {  	_ =	shalt  }
0x65: {  	_ =	shalt  }
0x66: {  	_ =	shalt  }
0x67: {  	_ =	shalt  }
0x68: {  	_ =	shalt  }
0x69: {  	_ =	shalt  }
0x6a: {  	_ =	shalt  }
0x6b: {  	_ =	shalt  }
0x6c: {  	_ =	shalt  }
0x6d: {  	_ =	shalt  }
0x6e: {  	_ =	shalt  }
0x6f: {  	_ =	shalt  }
0x70: {  	_ =	shalt  }
0x71: {  	_ =	shalt  }
0x72: {  	_ =	shalt  }
0x73: {  	_ =	shalt  }
0x74: {  	_ =	shalt  }
0x75: {  	_ =	shalt  }
0x76: {  	_ =	shalt  }
0x77: {  	_ =	shalt  }
0x78: {  	_ =	shalt  }
0x79: {  	_ =	shalt  }
0x7a: {  	_ =	shalt  }
0x7b: {  	_ =	shalt  }
0x7c: {  	_ =	shalt  }
0x7d: {  	_ =	shalt  }
0x7e: {  	_ =	shalt  }
0x7f: {  	_ =	shalt  }
0x80: {  	_ =	shalt  }
0x81: {  	_ =	shalt  }
0x82: {  	_ =	shalt  }
0x83: {  	_ =	shalt  }
0x84: {  	_ =	shalt  }
0x85: {  	_ =	shalt  }
0x86: {  	_ =	shalt  }
0x87: {  	_ =	shalt  }
.Lfunc_end0:
.L_simem_size_0:
called_computation.1_lowered:
.L_overlay_start_0:
0x88: {  	s2 =	sld [smem:$0x3FD9]  }
0x89: {  	s3 =	sld [smem:$0x3FFE];
	_ =	sdelay $0x1  }
0x8a: {  	s1 =	srdreg.scid  }
0x8b: {  	s0 =	sand.u32 $0x1, s1  }
0x8c: {  	s17 =	sshll.u32 s0, $0xA;
	s2 =	sadd.s32 s3, s2  }
0x8d: {  	s2 =	sadd.s32 s2, s17  }
0x8e: {  	[smem:$0x3FC2] =	sst s2  }
0x8f: {  	_ = 	snop  }
0x90: {  	s2 =	sld [smem:$0x3FD0];
	(tm) =	ssettm $0x1  }
0x91: {  	s18 =	sld [smem:$0x3FFB];
	_ =	sdelay $0x3  }
0x92: {  	_ =	strace s18  }
0x93: {  	s3 =	sld [smem:$0x3FFC];
	_ =	sdelay $0x3  }
0x94: {  	_ =	strace s3  }
0x95: {  	s3 =	sld [smem:$0x3FFD];
	_ =	sdelay $0x3  }
0x96: {  	_ =	strace s3  }
0x97: {  	_ =	strace $0x8FFFFFFF  }
0x98: {  	s19 =	sld [smem:$0x3FDB];
	_ =	sdelay $0x1  }
0x99: {  	s4 =	simm.s32 $_scs_section_size  }
0x9a: {  	s5 =	simm.s32 $_size__tile_overlayer_lowered;
	s6 =	simm.s32 $_tile_overlayer_lowered  }
0x9b: {  	s22 =	simm.s32 $0x1BFF;
	s21 =	sshll.u32 s6, $0x1;
	s3 =	sadd.s32 s4, s19  }
0x9c: {  	s7 =	simm.s32 $0x0;
	s20 =	sshll.u32 s5, $0x1;
	s5 =	sadd.s32 s21, s3  }
0x9d: {  	[timem:s7], [sflag:s22] =	dma.local [hbm:s5], s20  }
0x9e: {  	_ =	swait.ge [sflag:s22], s20  }
0x9f: {  	s4 =	ssub.s32 $0x0, s20;
	[sflag:s22] =	ssyncset.done $0x0  }
0xa0: {  	[sflag:s22] =	ssyncadd.s32 s4;
	_ =	sdelay $0x1  }
0xa1: {  	s23 =	simm.s32 $0x1B8B  }
0xa2: {  	_ =	swait.ge [sflag:s23], $0x1  }
0xa3: {  	[sflag:s23] =	ssyncset.done $0x0  }
0xa4: {  	s25 =	simm.s32 $0x1B8E;
	s24 =	sld [smem:$0x3FFE];
	[sflag:s23] =	ssyncadd.s32 $0xFFFFFFFF  }
0xa5: {  	s26 =	simm.s32 $execute0_lowered;
	[smem:$0x3FD2] =	sst s25  }
0xa6: {  	s5 =	sshll.u32 s26, $0x1;
	_ =	strace $0x80000049;
	[dreg:$0x1] =	wrdreg $0xFFFFFFFF  }
0xa7: {  	s28 =	simm.s32 $_size_execute0_lowered;
	s3 =	sadd.s32 s3, s5;
	[dreg:$0x0] =	wrdreg $0x0  }
0xa8: {  	s5 =	sshll.u32 s28, $0x1;
	[dreg:$0x2] =	wrdreg s3  }
0xa9: {  	[dreg:$0x3] =	wrdreg s5  }
0xaa: {  	[dreg:$0x4] =	wrdreg $0xC0  }
0xab: {  	_ =	task [dreg:s7], $0x5FFFF  }
0xac: {  	[dreg:$0x1] =	wrdreg $0xFFFFFFFF  }
0xad: {  	[dreg:$0x0] =	wrdreg $0x60  }
0xae: {  	[dreg:$0x2] =	wrdreg s2  }
0xaf: {  	[dreg:$0x3] =	wrdreg s24  }
0xb0: {  	[dreg:$0x4] =	wrdreg $0x9  }
0xb1: {  	_ =	task.clear_ibuf [dreg:s7], $0x5FFFF;
	_ =	strace $0x90000049  }
0xb2: {  	s29 =	simm.s32 $0x9;
	_ =	strace $0x8000004B  }
0xb3: {  	_ =	swait.ge [sflag:s29], $0x1  }
0xb4: {  	[sflag:s29] =	ssyncadd.s32 $0xFFFFFFFF  }
0xb5: {  	_ =	strace $0x9000004B  }
0xb6: {  	_ =	sfence  }
0xb7: {  	s30 =	sld [smem:$0x0];
	_ =	sdelay $0x2  }
0xb8: {  	s31 =	sshll.u32 s1, $0xD;
	s1 =	sshrl.u32 s1, $0x2  }
0xb9: {  	s3 =	sand.u32 $0x4000, s31;
	s1 =	sadd.s32 s1, s30  }
0xba: {  	s0 =	sor.u32 s3, s0;
	s1 =	sshll.u32 s1, $0x11  }
0xbb: {  	s0 =	sor.u32 s1, s0  }
0xbc: {  	s0 =	sadd.s32 $0x8F2B, s0  }
0xbd: {  	[sflag:s0] =	ssyncadd.remote.s32 $0x1  }
0xbe: {  	_ =	sfence.sel $0xFFFF  }
0xbf: {  	[dreg:$0x0] =	wrdreg $0xFFFFFFFF;
	(pc) =	sbr.abs _section_cstart, $3  }
0xc0: {  	[dreg:$0x1] =	wrdreg $0xFFFFFFFF  }
0xc1: {  	_ =	task.clear_ibuf [dreg:s7], $0x2FFFF;
	_ =	strace $0x9FFFFFFF  }
0xc2: {  	(tm) =	ssettm $0x7FFFFFFF  }
0xc3: {  	_ =	shalt  }
tec
execute0_lowered:
.L_overlay_start_1:
0x0: {  	(tag) =	ssettag $0x1  }
0x1: {  	s2 =	rddreg [dreg:$0x0]  }
0x2: {  	s8 =	rddreg [dreg:$0x1];
	s3 =	srdreg.scid  }
0x3: {  	s0 =	rddreg [dreg:$0x2];
	s1 =	stileid.u32;
	s22 =	sand.u32 $0x1, s3  }
0x4: {  	s3 =	simm.s32 $0x0;
	s4 =	sshll.u32 s1, $0xD;
	s5 =	sshll.u32 s22, $0xC  }
0x5: {  	s21 =	sadd.s32 $0x2800, s8;
	[smem:$0x7FF] =	sst s3;
	s24 =	sor.u32 s5, s4  }
0x6: {  	_ =	strace $0x8000004A;
	s4 =	simm.s32 $0x2;
	s5 =	sadd.s32 s21, s24  }
0x7: {  	[tilespmem:s3], [sflag:$0x2] =	stream.linear.gather [hbm4b:s5+s3], $0x1000, $0x38;
	[tilespmem:$0x2000] =	vst v63  }
0x8: {  	_ =	swait.ge [sflag:s4], $0x1000  }
0x9: {  	[sflag:s4] =	ssyncset.done $0x0  }
0xa: {  	s6 =	simm.s32 $0x1000;
	s7 =	simm.s32 $0x1;
	[sflag:s4] =	ssyncadd.s32 $0xFFFFF000  }
0xb: {  	[tilespmem:s6], [sflag:$0x1] =	stream.indirect.gather [hbm4b:s2+s6], $0x1, s3, s6, $0xb8;
	[tilespmem:$0x2000] =	vst v63  }
0xc: {  	_ =	swait.ge [sflag:s7], $0x1000  }
0xd: {  	s23 =	sadd.s32 $0x22800, s8;
	[sflag:s7] =	ssyncset.done $0x0  }
0xe: {  	s8 =	sadd.s32 s23, s24;
	[sflag:s7] =	ssyncadd.s32 $0xFFFFF000  }
0xf: {  	[hbm4b:s8+s3] =	stream.linear.scatter [tilespmem:s6], [sflag:$0x2], $0x1000, $0x38;
	[tilespmem:$0x2000] =	vst v63  }
0x10: {  	_ =	swait.ge [sflag:s4], $0x1000  }
0x11: {  	s10 =	sor.u32 $0x200, s24;
	[sflag:s4] =	ssyncset.done $0x0  }
0x12: {  	s9 =	sadd.s32 s21, s10;
	[sflag:s4] =	ssyncadd.s32 $0xFFFFF000  }
0x13: {  	[tilespmem:s3], [sflag:$0x2] =	stream.linear.gather [hbm4b:s9+s3], $0x1000, $0x38;
	[tilespmem:$0x2000] =	vst v63  }
0x14: {  	_ =	swait.ge [sflag:s4], $0x1000  }
0x15: {  	[sflag:s4] =	ssyncset.done $0x0  }
0x16: {  	[sflag:s4] =	ssyncadd.s32 $0xFFFFF000  }
0x17: {  	[tilespmem:s6], [sflag:$0x1] =	stream.indirect.gather [hbm4b:s2+s6], $0x1, s3, s6, $0xb8;
	[tilespmem:$0x2000] =	vst v63  }
0x18: {  	_ =	swait.ge [sflag:s7], $0x1000  }
0x19: {  	[sflag:s7] =	ssyncset.done $0x0  }
0x1a: {  	s10 =	sadd.s32 s23, s10;
	[sflag:s7] =	ssyncadd.s32 $0xFFFFF000  }
0x1b: {  	[hbm4b:s10+s3] =	stream.linear.scatter [tilespmem:s6], [sflag:$0x2], $0x1000, $0x38;
	[tilespmem:$0x2000] =	vst v63  }
0x1c: {  	_ =	swait.ge [sflag:s4], $0x1000  }
0x1d: {  	s12 =	sor.u32 $0x400, s24;
	[sflag:s4] =	ssyncset.done $0x0  }
0x1e: {  	s11 =	sadd.s32 s21, s12;
	[sflag:s4] =	ssyncadd.s32 $0xFFFFF000  }
0x1f: {  	[tilespmem:s3], [sflag:$0x2] =	stream.linear.gather [hbm4b:s11+s3], $0x1000, $0x38;
	[tilespmem:$0x2000] =	vst v63  }
0x20: {  	_ =	swait.ge [sflag:s4], $0x1000  }
0x21: {  	[sflag:s4] =	ssyncset.done $0x0  }
0x22: {  	[sflag:s4] =	ssyncadd.s32 $0xFFFFF000  }
0x23: {  	[tilespmem:s6], [sflag:$0x1] =	stream.indirect.gather [hbm4b:s2+s6], $0x1, s3, s6, $0xb8;
	[tilespmem:$0x2000] =	vst v63  }
0x24: {  	_ =	swait.ge [sflag:s7], $0x1000  }
0x25: {  	[sflag:s7] =	ssyncset.done $0x0  }
0x26: {  	s12 =	sadd.s32 s23, s12;
	[sflag:s7] =	ssyncadd.s32 $0xFFFFF000  }
0x27: {  	[hbm4b:s12+s3] =	stream.linear.scatter [tilespmem:s6], [sflag:$0x2], $0x1000, $0x38;
	[tilespmem:$0x2000] =	vst v63  }
0x28: {  	_ =	swait.ge [sflag:s4], $0x1000  }
0x29: {  	s14 =	sor.u32 $0x600, s24;
	[sflag:s4] =	ssyncset.done $0x0  }
0x2a: {  	s13 =	sadd.s32 s21, s14;
	[sflag:s4] =	ssyncadd.s32 $0xFFFFF000  }
0x2b: {  	[tilespmem:s3], [sflag:$0x2] =	stream.linear.gather [hbm4b:s13+s3], $0x1000, $0x38;
	[tilespmem:$0x2000] =	vst v63  }
0x2c: {  	_ =	swait.ge [sflag:s4], $0x1000  }
0x2d: {  	[sflag:s4] =	ssyncset.done $0x0  }
0x2e: {  	[sflag:s4] =	ssyncadd.s32 $0xFFFFF000  }
0x2f: {  	[tilespmem:s6], [sflag:$0x1] =	stream.indirect.gather [hbm4b:s2+s6], $0x1, s3, s6, $0xb8;
	[tilespmem:$0x2000] =	vst v63  }
0x30: {  	_ =	swait.ge [sflag:s7], $0x1000  }
0x31: {  	[sflag:s7] =	ssyncset.done $0x0  }
0x32: {  	s14 =	sadd.s32 s23, s14;
	[sflag:s7] =	ssyncadd.s32 $0xFFFFF000  }
0x33: {  	[hbm4b:s14+s3] =	stream.linear.scatter [tilespmem:s6], [sflag:$0x2], $0x1000, $0x38;
	[tilespmem:$0x2000] =	vst v63  }
0x34: {  	_ =	swait.ge [sflag:s4], $0x1000  }
0x35: {  	s16 =	sor.u32 $0x800, s24;
	[sflag:s4] =	ssyncset.done $0x0  }
0x36: {  	s15 =	sadd.s32 s21, s16;
	[sflag:s4] =	ssyncadd.s32 $0xFFFFF000  }
0x37: {  	[tilespmem:s3], [sflag:$0x2] =	stream.linear.gather [hbm4b:s15+s3], $0x1000, $0x38;
	[tilespmem:$0x2000] =	vst v63  }
0x38: {  	_ =	swait.ge [sflag:s4], $0x1000  }
0x39: {  	[sflag:s4] =	ssyncset.done $0x0  }
0x3a: {  	[sflag:s4] =	ssyncadd.s32 $0xFFFFF000  }
0x3b: {  	[tilespmem:s6], [sflag:$0x1] =	stream.indirect.gather [hbm4b:s2+s6], $0x1, s3, s6, $0xb8;
	[tilespmem:$0x2000] =	vst v63  }
0x3c: {  	_ =	swait.ge [sflag:s7], $0x1000  }
0x3d: {  	[sflag:s7] =	ssyncset.done $0x0  }
0x3e: {  	s16 =	sadd.s32 s23, s16;
	[sflag:s7] =	ssyncadd.s32 $0xFFFFF000  }
0x3f: {  	[hbm4b:s16+s3] =	stream.linear.scatter [tilespmem:s6], [sflag:$0x2], $0x1000, $0x38;
	[tilespmem:$0x2000] =	vst v63  }
0x40: {  	_ =	swait.ge [sflag:s4], $0x1000  }
0x41: {  	s18 =	sor.u32 $0xA00, s24;
	[sflag:s4] =	ssyncset.done $0x0  }
0x42: {  	s17 =	sadd.s32 s21, s18;
	[sflag:s4] =	ssyncadd.s32 $0xFFFFF000  }
0x43: {  	[tilespmem:s3], [sflag:$0x2] =	stream.linear.gather [hbm4b:s17+s3], $0x1000, $0x38;
	[tilespmem:$0x2000] =	vst v63  }
0x44: {  	_ =	swait.ge [sflag:s4], $0x1000  }
0x45: {  	[sflag:s4] =	ssyncset.done $0x0  }
0x46: {  	[sflag:s4] =	ssyncadd.s32 $0xFFFFF000  }
0x47: {  	[tilespmem:s6], [sflag:$0x1] =	stream.indirect.gather [hbm4b:s2+s6], $0x1, s3, s6, $0xb8;
	[tilespmem:$0x2000] =	vst v63  }
0x48: {  	_ =	swait.ge [sflag:s7], $0x1000  }
0x49: {  	[sflag:s7] =	ssyncset.done $0x0  }
0x4a: {  	s18 =	sadd.s32 s23, s18;
	[sflag:s7] =	ssyncadd.s32 $0xFFFFF000  }
0x4b: {  	[hbm4b:s18+s3] =	stream.linear.scatter [tilespmem:s6], [sflag:$0x2], $0x1000, $0x38;
	[tilespmem:$0x2000] =	vst v63  }
0x4c: {  	_ =	swait.ge [sflag:s4], $0x1000  }
0x4d: {  	s20 =	sor.u32 $0xC00, s24;
	[sflag:s4] =	ssyncset.done $0x0  }
0x4e: {  	s19 =	sadd.s32 s21, s20;
	[sflag:s4] =	ssyncadd.s32 $0xFFFFF000  }
0x4f: {  	[tilespmem:s3], [sflag:$0x2] =	stream.linear.gather [hbm4b:s19+s3], $0x1000, $0x38;
	[tilespmem:$0x2000] =	vst v63  }
0x50: {  	_ =	swait.ge [sflag:s4], $0x1000  }
0x51: {  	[sflag:s4] =	ssyncset.done $0x0  }
0x52: {  	[sflag:s4] =	ssyncadd.s32 $0xFFFFF000  }
0x53: {  	[tilespmem:s6], [sflag:$0x1] =	stream.indirect.gather [hbm4b:s2+s6], $0x1, s3, s6, $0xb8;
	[tilespmem:$0x2000] =	vst v63  }
0x54: {  	_ =	swait.ge [sflag:s7], $0x1000  }
0x55: {  	[sflag:s7] =	ssyncset.done $0x0  }
0x56: {  	s20 =	sadd.s32 s23, s20;
	[sflag:s7] =	ssyncadd.s32 $0xFFFFF000  }
0x57: {  	[hbm4b:s20+s3] =	stream.linear.scatter [tilespmem:s6], [sflag:$0x2], $0x1000, $0x38;
	[tilespmem:$0x2000] =	vst v63  }
0x58: {  	_ =	swait.ge [sflag:s4], $0x1000  }
0x59: {  	s24 =	sor.u32 $0xE00, s24;
	[sflag:s4] =	ssyncset.done $0x0  }
0x5a: {  	s22 =	ssub.s32 $0x2, s22;
	s21 =	sadd.s32 s21, s24;
	[sflag:s4] =	ssyncadd.s32 $0xFFFFF000  }
0x5b: {  	[tilespmem:s3], [sflag:$0x2] =	stream.linear.gather [hbm4b:s21+s3], $0x1000, $0x38;
	[tilespmem:$0x2000] =	vst v63  }
0x5c: {  	s25 =	sshrl.u32 s22, $0x1;
	_ =	swait.ge [sflag:s4], $0x1000  }
0x5d: {  	s25 =	ssub.s32 s22, s25;
	[sflag:s4] =	ssyncset.done $0x0  }
0x5e: {  	s31 =	smax.u32 s25, $0x1;
	[sflag:s4] =	ssyncadd.s32 $0xFFFFF000  }
0x5f: {  	[tilespmem:s6], [sflag:$0x1] =	stream.indirect.gather [hbm4b:s2+s6], $0x1, s3, s6, $0xb8;
	[tilespmem:$0x2000] =	vst v63  }
0x60: {  	p0 =	sne.s32 s31, $0x1;
	_ =	swait.ge [sflag:s7], $0x1000  }
.Ltmp0:
0x61: {  	[sflag:s7] =	ssyncset.done $0x0;
	(pc) =	sbr.rel @!p0 .LBB2_2-.Ltmp0, $4  }
0x62: {  	s22 =	sadd.s32 s23, s24;
	[sflag:s7] =	ssyncadd.s32 $0xFFFFF000  }
0x63: {  	[hbm4b:s22+s3] =	stream.linear.scatter [tilespmem:s6], [sflag:$0x2], $0x1000, $0x38;
	[tilespmem:$0x2000] =	vst v63  }
0x64: {  	_ =	swait.ge [sflag:s4], $0x1000  }
0x65: {  	s23 =	sadd.s32 $0xFFFFFFFF, s31;
	[sflag:s4] =	ssyncset.done $0x0  }
.LBB2_1:
0x66: {  	p0 =	sne.s32 s23, $0x1;
	s23 =	sadd.s32 $0xFFFFFFFF, s23;
	[sflag:s4] =	ssyncadd.s32 $0xFFFFF000  }
0x67: {  	[tilespmem:s3], [sflag:$0x2] =	stream.linear.gather [hbm4b:s5+s3], $0x1000, $0x38;
	[tilespmem:$0x2000] =	vst v63  }
0x68: {  	_ =	swait.ge [sflag:s4], $0x1000  }
0x69: {  	[sflag:s4] =	ssyncset.done $0x0  }
0x6a: {  	[sflag:s4] =	ssyncadd.s32 $0xFFFFF000  }
0x6b: {  	[tilespmem:s6], [sflag:$0x1] =	stream.indirect.gather [hbm4b:s2+s6], $0x1, s3, s6, $0xb8;
	[tilespmem:$0x2000] =	vst v63  }
0x6c: {  	_ =	swait.ge [sflag:s7], $0x1000  }
0x6d: {  	[sflag:s7] =	ssyncset.done $0x0  }
0x6e: {  	[sflag:s7] =	ssyncadd.s32 $0xFFFFF000  }
0x6f: {  	[hbm4b:s8+s3] =	stream.linear.scatter [tilespmem:s6], [sflag:$0x2], $0x1000, $0x38;
	[tilespmem:$0x2000] =	vst v63  }
0x70: {  	_ =	swait.ge [sflag:s4], $0x1000  }
0x71: {  	[sflag:s4] =	ssyncset.done $0x0  }
0x72: {  	[sflag:s4] =	ssyncadd.s32 $0xFFFFF000  }
0x73: {  	[tilespmem:s3], [sflag:$0x2] =	stream.linear.gather [hbm4b:s9+s3], $0x1000, $0x38;
	[tilespmem:$0x2000] =	vst v63  }
0x74: {  	_ =	swait.ge [sflag:s4], $0x1000  }
0x75: {  	[sflag:s4] =	ssyncset.done $0x0  }
0x76: {  	[sflag:s4] =	ssyncadd.s32 $0xFFFFF000  }
0x77: {  	[tilespmem:s6], [sflag:$0x1] =	stream.indirect.gather [hbm4b:s2+s6], $0x1, s3, s6, $0xb8;
	[tilespmem:$0x2000] =	vst v63  }
0x78: {  	_ =	swait.ge [sflag:s7], $0x1000  }
0x79: {  	[sflag:s7] =	ssyncset.done $0x0  }
0x7a: {  	[sflag:s7] =	ssyncadd.s32 $0xFFFFF000  }
0x7b: {  	[hbm4b:s10+s3] =	stream.linear.scatter [tilespmem:s6], [sflag:$0x2], $0x1000, $0x38;
	[tilespmem:$0x2000] =	vst v63  }
0x7c: {  	_ =	swait.ge [sflag:s4], $0x1000  }
0x7d: {  	[sflag:s4] =	ssyncset.done $0x0  }
0x7e: {  	[sflag:s4] =	ssyncadd.s32 $0xFFFFF000  }
0x7f: {  	[tilespmem:s3], [sflag:$0x2] =	stream.linear.gather [hbm4b:s11+s3], $0x1000, $0x38;
	[tilespmem:$0x2000] =	vst v63  }
0x80: {  	_ =	swait.ge [sflag:s4], $0x1000  }
0x81: {  	[sflag:s4] =	ssyncset.done $0x0  }
0x82: {  	[sflag:s4] =	ssyncadd.s32 $0xFFFFF000  }
0x83: {  	[tilespmem:s6], [sflag:$0x1] =	stream.indirect.gather [hbm4b:s2+s6], $0x1, s3, s6, $0xb8;
	[tilespmem:$0x2000] =	vst v63  }
0x84: {  	_ =	swait.ge [sflag:s7], $0x1000  }
0x85: {  	[sflag:s7] =	ssyncset.done $0x0  }
0x86: {  	[sflag:s7] =	ssyncadd.s32 $0xFFFFF000  }
0x87: {  	[hbm4b:s12+s3] =	stream.linear.scatter [tilespmem:s6], [sflag:$0x2], $0x1000, $0x38;
	[tilespmem:$0x2000] =	vst v63  }
0x88: {  	_ =	swait.ge [sflag:s4], $0x1000  }
0x89: {  	[sflag:s4] =	ssyncset.done $0x0  }
0x8a: {  	[sflag:s4] =	ssyncadd.s32 $0xFFFFF000  }
0x8b: {  	[tilespmem:s3], [sflag:$0x2] =	stream.linear.gather [hbm4b:s13+s3], $0x1000, $0x38;
	[tilespmem:$0x2000] =	vst v63  }
0x8c: {  	_ =	swait.ge [sflag:s4], $0x1000  }
0x8d: {  	[sflag:s4] =	ssyncset.done $0x0  }
0x8e: {  	[sflag:s4] =	ssyncadd.s32 $0xFFFFF000  }
0x8f: {  	[tilespmem:s6], [sflag:$0x1] =	stream.indirect.gather [hbm4b:s2+s6], $0x1, s3, s6, $0xb8;
	[tilespmem:$0x2000] =	vst v63  }
0x90: {  	_ =	swait.ge [sflag:s7], $0x1000  }
0x91: {  	[sflag:s7] =	ssyncset.done $0x0  }
0x92: {  	[sflag:s7] =	ssyncadd.s32 $0xFFFFF000  }
0x93: {  	[hbm4b:s14+s3] =	stream.linear.scatter [tilespmem:s6], [sflag:$0x2], $0x1000, $0x38;
	[tilespmem:$0x2000] =	vst v63  }
0x94: {  	_ =	swait.ge [sflag:s4], $0x1000  }
0x95: {  	[sflag:s4] =	ssyncset.done $0x0  }
0x96: {  	[sflag:s4] =	ssyncadd.s32 $0xFFFFF000  }
0x97: {  	[tilespmem:s3], [sflag:$0x2] =	stream.linear.gather [hbm4b:s15+s3], $0x1000, $0x38;
	[tilespmem:$0x2000] =	vst v63  }
0x98: {  	_ =	swait.ge [sflag:s4], $0x1000  }
0x99: {  	[sflag:s4] =	ssyncset.done $0x0  }
0x9a: {  	[sflag:s4] =	ssyncadd.s32 $0xFFFFF000  }
0x9b: {  	[tilespmem:s6], [sflag:$0x1] =	stream.indirect.gather [hbm4b:s2+s6], $0x1, s3, s6, $0xb8;
	[tilespmem:$0x2000] =	vst v63  }
0x9c: {  	_ =	swait.ge [sflag:s7], $0x1000  }
0x9d: {  	[sflag:s7] =	ssyncset.done $0x0  }
0x9e: {  	[sflag:s7] =	ssyncadd.s32 $0xFFFFF000  }
0x9f: {  	[hbm4b:s16+s3] =	stream.linear.scatter [tilespmem:s6], [sflag:$0x2], $0x1000, $0x38;
	[tilespmem:$0x2000] =	vst v63  }
0xa0: {  	_ =	swait.ge [sflag:s4], $0x1000  }
0xa1: {  	[sflag:s4] =	ssyncset.done $0x0  }
0xa2: {  	[sflag:s4] =	ssyncadd.s32 $0xFFFFF000  }
0xa3: {  	[tilespmem:s3], [sflag:$0x2] =	stream.linear.gather [hbm4b:s17+s3], $0x1000, $0x38;
	[tilespmem:$0x2000] =	vst v63  }
0xa4: {  	_ =	swait.ge [sflag:s4], $0x1000  }
0xa5: {  	[sflag:s4] =	ssyncset.done $0x0  }
0xa6: {  	[sflag:s4] =	ssyncadd.s32 $0xFFFFF000  }
0xa7: {  	[tilespmem:s6], [sflag:$0x1] =	stream.indirect.gather [hbm4b:s2+s6], $0x1, s3, s6, $0xb8;
	[tilespmem:$0x2000] =	vst v63  }
0xa8: {  	_ =	swait.ge [sflag:s7], $0x1000  }
0xa9: {  	[sflag:s7] =	ssyncset.done $0x0  }
0xaa: {  	[sflag:s7] =	ssyncadd.s32 $0xFFFFF000  }
0xab: {  	[hbm4b:s18+s3] =	stream.linear.scatter [tilespmem:s6], [sflag:$0x2], $0x1000, $0x38;
	[tilespmem:$0x2000] =	vst v63  }
0xac: {  	_ =	swait.ge [sflag:s4], $0x1000  }
0xad: {  	[sflag:s4] =	ssyncset.done $0x0  }
0xae: {  	[sflag:s4] =	ssyncadd.s32 $0xFFFFF000  }
0xaf: {  	[tilespmem:s3], [sflag:$0x2] =	stream.linear.gather [hbm4b:s19+s3], $0x1000, $0x38;
	[tilespmem:$0x2000] =	vst v63  }
0xb0: {  	_ =	swait.ge [sflag:s4], $0x1000  }
0xb1: {  	[sflag:s4] =	ssyncset.done $0x0  }
0xb2: {  	[sflag:s4] =	ssyncadd.s32 $0xFFFFF000  }
0xb3: {  	[tilespmem:s6], [sflag:$0x1] =	stream.indirect.gather [hbm4b:s2+s6], $0x1, s3, s6, $0xb8;
	[tilespmem:$0x2000] =	vst v63  }
0xb4: {  	_ =	swait.ge [sflag:s7], $0x1000  }
0xb5: {  	[sflag:s7] =	ssyncset.done $0x0  }
0xb6: {  	[sflag:s7] =	ssyncadd.s32 $0xFFFFF000  }
0xb7: {  	[hbm4b:s20+s3] =	stream.linear.scatter [tilespmem:s6], [sflag:$0x2], $0x1000, $0x38;
	[tilespmem:$0x2000] =	vst v63  }
0xb8: {  	_ =	swait.ge [sflag:s4], $0x1000  }
0xb9: {  	[sflag:s4] =	ssyncset.done $0x0  }
0xba: {  	[sflag:s4] =	ssyncadd.s32 $0xFFFFF000  }
0xbb: {  	[tilespmem:s3], [sflag:$0x2] =	stream.linear.gather [hbm4b:s21+s3], $0x1000, $0x38;
	[tilespmem:$0x2000] =	vst v63  }
0xbc: {  	_ =	swait.ge [sflag:s4], $0x1000  }
0xbd: {  	[sflag:s4] =	ssyncset.done $0x0  }
0xbe: {  	[sflag:s4] =	ssyncadd.s32 $0xFFFFF000  }
0xbf: {  	[tilespmem:s6], [sflag:$0x1] =	stream.indirect.gather [hbm4b:s2+s6], $0x1, s3, s6, $0xb8;
	[tilespmem:$0x2000] =	vst v63  }
0xc0: {  	_ =	swait.ge [sflag:s7], $0x1000  }
.Ltmp1:
0xc1: {  	[sflag:s7] =	ssyncset.done $0x0;
	(pc) =	sbr.rel @p0 .LBB2_1-.Ltmp1, $4  }
0xc2: {  	[sflag:s7] =	ssyncadd.s32 $0xFFFFF000  }
0xc3: {  	[hbm4b:s22+s3] =	stream.linear.scatter [tilespmem:s6], [sflag:$0x2], $0x1000, $0x38;
	[tilespmem:$0x2000] =	vst v63  }
0xc4: {  	_ =	swait.ge [sflag:s4], $0x1000  }
0xc5: {  	[sflag:s4] =	ssyncset.done $0x0  }
.LBB2_2:
0xc6: {  	[sflag:s4] =	ssyncadd.s32 $0xFFFFF000  }
0xc7: {  	_ =	sfence.sel $0x180000  }
0xc8: {  	[bflag:$0x0] =	sbarrier.arrive $0xFFFF  }
0xc9: {  	p0 =	sne.s32 s1, $0x0;
	_ =	strace $0x9000004A  }
0xca: {  	s0 =	sadd.s32 @!p0 $0x100000, s0;
	[bflag:$0x2] =	sbarrier.arrive $0xFFFF  }
0xcb: {  	[sflag:s0] =	ssyncadd.tile.s32 @!p0 $0x1;
	_ =	shalt  }
.Lfunc_end2:
_tile_overlayer_lowered:
.L_overlay_start_2:
0xcc: {  	(tag) =	ssettag $0x2  }
0xcd: {  	s0 =	rddreg [dreg:$0x0];
	s2 =	stileid.u32  }
0xce: {  	s1 =	rddreg [dreg:$0x1];
	p0 =	sne.s32 s2, $0x0  }
0xcf: {  	s3 =	rddreg [dreg:$0x2];
	[bflag:$0x3] =	sbarrier.arrive $0xFFFF;
	s2 =	simm.s32 @!p0 $0x1C02  }
0xd0: {  	[timem:s3], [sflag:s2] =	dma.local @!p0 [hbm:s0], s1  }
0xd1: {  	s0 =	simm.s32 @!p0 $0x2  }
0xd2: {  	_ =	swait.ge @!p0 [sflag:s0], s1  }
0xd3: {  	s1 =	ssub.s32 @!p0 $0x0, s1;
	[sflag:s0] =	ssyncset.done @!p0 $0x0  }
0xd4: {  	[sflag:s0] =	ssyncadd.s32 @!p0 s1  }
0xd5: {  	[bflag:$0x3] =	sbarrier.arrive $0xFFFF  }
0xd6: {  	_ =	shalt  }

// kernel: kernel.7.cloned.1.call-start
scs
__scs_entry_jumppad:
0x0: {  	(pc) =	sbr.rel $0x88, $3  }
0x1: {  	(tag) =	ssettag $0x0;
	lr =	simm.s32 $0x1  }
0x2: {  	[smem:$0x3F9B] =	sst lr;
	_ =	strace $0xD0000000  }
0x3: {  	_ = 	snop  }
0x4: {  	_ = 	snop  }
0x5: {  	_ = 	snop  }
0x6: {  	_ = 	snop  }
0x7: {  	_ = 	snop  }
__scs_overlays_trampoline_lowered:
0x8: {  	[smem:$0x3FAA] =	sst s0  }
0x9: {  	[smem:$0x3FAB] =	sst s1  }
0xa: {  	[smem:$0x3FAC] =	sst s2  }
0xb: {  	[smem:$0x3FAD] =	sst s3  }
0xc: {  	[smem:$0x3FAE] =	sst s4  }
0xd: {  	[smem:$0x3FAF] =	sst s5  }
0xe: {  	[smem:$0x3FB0] =	sst s6  }
0xf: {  	[smem:$0x3FB1] =	sst s7  }
0x10: {  	[smem:$0x3FB2] =	sst s8  }
0x11: {  	[smem:$0x3FB3] =	sst s9;
	s0 =	simm.s32 @!p0 $0x0  }
0x12: {  	s1 =	sld [smem:$0x3F99];
	s0 =	simm.s32 @p0 $0x1  }
0x13: {  	[smem:$0x3FB4] =	sst s0;
	s0 =	simm.s32 @!p1 $0x0  }
0x14: {  	s2 =	sld [smem:$0x3F98];
	s0 =	simm.s32 @p1 $0x1  }
0x15: {  	[smem:$0x3FB5] =	sst s0;
	s0 =	simm.s32 @!p2 $0x0  }
0x16: {  	s3 =	sld [smem:$0x3FDB];
	s0 =	simm.s32 @p2 $0x1  }
0x17: {  	s4 =	simm.s32 $0x1BF5;
	[smem:$0x3FB7] =	sst s0  }
0x18: {  	s0 =	sld [smem:$0x3F9A];
	_ =	swait.ge [sflag:s4], $0x0  }
0x19: {  	s7 =	sld [smem:$0x3F9B]  }
0x1a: {  	s8 =	sadd.s32 $0xFFFFE003, lr  }
0x1b: {  	s9 =	sadd.s32 $0xFFFFFEF7, lr;
	s5 =	simm.s32 $0xFFFFFFFF;
	p2 =	slt.u32 s8, $0xFFFFF086  }
0x1c: {  	p1 =	slt.u32 s9, $0xF7A;
	s5 =	simm.s32 @!p2 $0x0  }
0x1d: {  	s5 =	simm.s32 @p1 $0x1;
	p0 =	seq.s32 s7, s2  }
0x1e: {  	s7 =	smul.u32 @!p0 $0xF7A, s2;
	p2 =	seq.s32 @!p0 s5, $0x0  }
0x1f: {  	s9 =	smul.u32 $0xF7A, s1;
	s8 =	simm.s32 @!p0 $0x1BF5;
	p2 =	por !p2, p0  }
0x20: {  	[sflag:s8] =	ssyncset.s32 @!p0 $0xFFFFF086;
	s6 =	sadd.s32 @!p0 s3, s7;
	s7 =	simm.s32 @!p0 $0x108  }
0x21: {  	s3 =	sadd.s32 s3, s9;
	s6 =	sadd.s32 @!p0 $0x88, s6;
	s7 =	simm.s32 @p2 $0x1082  }
0x22: {  	[simem:s7], [sflag:s8] =	dma.local @!p0 [hbm:s6], $0xF7A  }
0x23: {  	s9 =	sor.u32 $0xD0000000, s2;
	s6 =	simm.s32 $0x108;
	_ =	swait.ge @!p0 [sflag:s8], $0x0  }
0x24: {  	s3 =	sadd.s32 $0x88, s3;
	s6 =	simm.s32 @!p1 $0x1082;
	[sflag:s4] =	ssyncset.s32 $0xFFFFF086  }
0x25: {  	[simem:s6], [sflag:s4] =	dma.local [hbm:s3], $0xF7A  }
0x26: {  	[smem:$0x3F9B] =	sst s1;
	(tag) =	ssettag s2;
	_ =	strace s9  }
0x27: {  	s1 =	sld [smem:$0x3FAB]  }
0x28: {  	s2 =	sld [smem:$0x3FAC]  }
0x29: {  	s4 =	sld [smem:$0x3FAE]  }
0x2a: {  	p0 =	seq.s32 s5, $0x0;
	s5 =	sld [smem:$0x3FAF]  }
0x2b: {  	s6 =	sld [smem:$0x3FB0]  }
0x2c: {  	s7 =	sld [smem:$0x3FB1]  }
0x2d: {  	s3 =	simm.s32 $0x108;
	s8 =	sld [smem:$0x3FB2]  }
0x2e: {  	s3 =	simm.s32 @!p0 $0x1082;
	s9 =	sld [smem:$0x3FB3]  }
0x2f: {  	lr =	sadd.s32 s0, s3;
	s0 =	sld [smem:$0x3FAA]  }
0x30: {  	s3 =	sld [smem:$0x3FAD]  }
0x31: {  	[smem:$0x3FB6] =	sst s10  }
0x32: {  	s10 =	sld [smem:$0x3FB4];
	_ =	sdelay $0x3  }
0x33: {  	p0 =	seq.s32 s10, $0x1;
	s10 =	sld [smem:$0x3FB6];
	_ =	sdelay $0x3  }
0x34: {  	[smem:$0x3FB6] =	sst s10  }
0x35: {  	s10 =	sld [smem:$0x3FB5];
	_ =	sdelay $0x3  }
0x36: {  	p1 =	seq.s32 s10, $0x1;
	s10 =	sld [smem:$0x3FB6];
	_ =	sdelay $0x3  }
0x37: {  	[smem:$0x3FB6] =	sst s10  }
0x38: {  	s10 =	sld [smem:$0x3FB7]  }
0x39: {  	_ = 	snop;
	(pc) =	sbr.ind lr, $3  }
0x3a: {  	_ = 	snop  }
0x3b: {  	_ = 	snop  }
0x3c: {  	p2 =	seq.s32 s10, $0x1;
	s10 =	sld [smem:$0x3FB6]  }
0x3d: {  	_ =	shalt  }
0x3e: {  	_ =	shalt  }
0x3f: {  	_ =	shalt  }
0x40: {  	_ =	shalt  }
0x41: {  	_ =	shalt  }
0x42: {  	_ =	shalt  }
0x43: {  	_ =	shalt  }
0x44: {  	_ =	shalt  }
0x45: {  	_ =	shalt  }
0x46: {  	_ =	shalt  }
0x47: {  	_ =	shalt  }
0x48: {  	_ =	shalt  }
0x49: {  	_ =	shalt  }
0x4a: {  	_ =	shalt  }
0x4b: {  	_ =	shalt  }
0x4c: {  	_ =	shalt  }
0x4d: {  	_ =	shalt  }
0x4e: {  	_ =	shalt  }
0x4f: {  	_ =	shalt  }
0x50: {  	_ =	shalt  }
0x51: {  	_ =	shalt  }
0x52: {  	_ =	shalt  }
0x53: {  	_ =	shalt  }
0x54: {  	_ =	shalt  }
0x55: {  	_ =	shalt  }
0x56: {  	_ =	shalt  }
0x57: {  	_ =	shalt  }
0x58: {  	_ =	shalt  }
0x59: {  	_ =	shalt  }
0x5a: {  	_ =	shalt  }
0x5b: {  	_ =	shalt  }
0x5c: {  	_ =	shalt  }
0x5d: {  	_ =	shalt  }
0x5e: {  	_ =	shalt  }
0x5f: {  	_ =	shalt  }
0x60: {  	_ =	shalt  }
0x61: {  	_ =	shalt  }
0x62: {  	_ =	shalt  }
0x63: {  	_ =	shalt  }
0x64: {  	_ =	shalt  }
0x65: {  	_ =	shalt  }
0x66: {  	_ =	shalt  }
0x67: {  	_ =	shalt  }
0x68: {  	_ =	shalt  }
0x69: {  	_ =	shalt  }
0x6a: {  	_ =	shalt  }
0x6b: {  	_ =	shalt  }
0x6c: {  	_ =	shalt  }
0x6d: {  	_ =	shalt  }
0x6e: {  	_ =	shalt  }
0x6f: {  	_ =	shalt  }
0x70: {  	_ =	shalt  }
0x71: {  	_ =	shalt  }
0x72: {  	_ =	shalt  }
0x73: {  	_ =	shalt  }
0x74: {  	_ =	shalt  }
0x75: {  	_ =	shalt  }
0x76: {  	_ =	shalt  }
0x77: {  	_ =	shalt  }
0x78: {  	_ =	shalt  }
0x79: {  	_ =	shalt  }
0x7a: {  	_ =	shalt  }
0x7b: {  	_ =	shalt  }
0x7c: {  	_ =	shalt  }
0x7d: {  	_ =	shalt  }
0x7e: {  	_ =	shalt  }
0x7f: {  	_ =	shalt  }
0x80: {  	_ =	shalt  }
0x81: {  	_ =	shalt  }
0x82: {  	_ =	shalt  }
0x83: {  	_ =	shalt  }
0x84: {  	_ =	shalt  }
0x85: {  	_ =	shalt  }
0x86: {  	_ =	shalt  }
0x87: {  	_ =	shalt  }
.Lfunc_end0:
.L_simem_size_0:
called_computation_lowered:
.L_overlay_start_0:
0x88: {  	s2 =	sld [smem:$0x3FD9]  }
0x89: {  	s3 =	sld [smem:$0x3FFE];
	_ =	sdelay $0x1  }
0x8a: {  	s1 =	srdreg.scid  }
0x8b: {  	s0 =	sand.u32 $0x1, s1  }
0x8c: {  	s16 =	sshll.u32 s0, $0xA;
	s2 =	sadd.s32 s3, s2  }
0x8d: {  	s2 =	sadd.s32 s2, s16  }
0x8e: {  	[smem:$0x3FC2] =	sst s2  }
0x8f: {  	_ = 	snop  }
0x90: {  	(tm) =	ssettm $0x1  }
0x91: {  	s17 =	sld [smem:$0x3FFB];
	_ =	sdelay $0x3  }
0x92: {  	_ =	strace s17  }
0x93: {  	s2 =	sld [smem:$0x3FFC];
	_ =	sdelay $0x3  }
0x94: {  	_ =	strace s2  }
0x95: {  	s2 =	sld [smem:$0x3FFD];
	_ =	sdelay $0x3  }
0x96: {  	_ =	strace s2  }
0x97: {  	_ =	strace $0x8FFFFFFF  }
0x98: {  	s18 =	sld [smem:$0x3FDB];
	_ =	sdelay $0x1  }
0x99: {  	s19 =	simm.s32 $_scs_section_size  }
0x9a: {  	s4 =	simm.s32 $_size__tile_overlayer_lowered;
	s5 =	simm.s32 $_tile_overlayer_lowered  }
0x9b: {  	s22 =	simm.s32 $0x1BFF;
	s21 =	sshll.u32 s5, $0x1;
	s2 =	sadd.s32 s19, s18  }
0x9c: {  	s6 =	simm.s32 $0x0;
	s20 =	sshll.u32 s4, $0x1;
	s4 =	sadd.s32 s21, s2  }
0x9d: {  	[timem:s6], [sflag:s22] =	dma.local [hbm:s4], s20  }
0x9e: {  	_ =	swait.ge [sflag:s22], s20  }
0x9f: {  	s3 =	ssub.s32 $0x0, s20;
	[sflag:s22] =	ssyncset.done $0x0  }
0xa0: {  	[sflag:s22] =	ssyncadd.s32 s3;
	_ =	sdelay $0x1  }
0xa1: {  	s23 =	simm.s32 $0x1B8B  }
0xa2: {  	_ =	swait.ge [sflag:s23], $0x1  }
0xa3: {  	[sflag:s23] =	ssyncset.done $0x0  }
0xa4: {  	s25 =	simm.s32 $0x1B8E;
	s24 =	sld [smem:$0x3FFE];
	[sflag:s23] =	ssyncadd.s32 $0xFFFFFFFF  }
0xa5: {  	s26 =	simm.s32 $execute0_lowered;
	[smem:$0x3FD2] =	sst s25  }
0xa6: {  	s4 =	sshll.u32 s26, $0x1;
	_ =	strace $0x80000046;
	[dreg:$0x1] =	wrdreg $0xFFFFFFFF  }
0xa7: {  	s28 =	simm.s32 $_size_execute0_lowered;
	s2 =	sadd.s32 s2, s4;
	[dreg:$0x0] =	wrdreg $0x0  }
0xa8: {  	s4 =	sshll.u32 s28, $0x1;
	[dreg:$0x2] =	wrdreg s2  }
0xa9: {  	[dreg:$0x3] =	wrdreg s4  }
0xaa: {  	[dreg:$0x4] =	wrdreg $0xC0  }
0xab: {  	_ =	task [dreg:s6], $0x5FFFF  }
0xac: {  	[dreg:$0x1] =	wrdreg $0xFFFFFFFF  }
0xad: {  	[dreg:$0x0] =	wrdreg $0x60  }
0xae: {  	[dreg:$0x2] =	wrdreg s24  }
0xaf: {  	[dreg:$0x3] =	wrdreg $0x9  }
0xb0: {  	_ =	task.clear_ibuf [dreg:s6], $0x4FFFF;
	_ =	strace $0x90000046  }
0xb1: {  	s29 =	simm.s32 $0x9;
	_ =	strace $0x80000048  }
0xb2: {  	_ =	swait.ge [sflag:s29], $0x1  }
0xb3: {  	[sflag:s29] =	ssyncadd.s32 $0xFFFFFFFF  }
0xb4: {  	_ =	strace $0x90000048  }
0xb5: {  	_ =	sfence  }
0xb6: {  	s30 =	sld [smem:$0x0];
	_ =	sdelay $0x2  }
0xb7: {  	s31 =	sshll.u32 s1, $0xD;
	s1 =	sshrl.u32 s1, $0x2  }
0xb8: {  	s3 =	sand.u32 $0x4000, s31;
	s1 =	sadd.s32 s1, s30  }
0xb9: {  	s0 =	sor.u32 s3, s0;
	s1 =	sshll.u32 s1, $0x11  }
0xba: {  	s0 =	sor.u32 s1, s0  }
0xbb: {  	s0 =	sadd.s32 $0x8F2B, s0  }
0xbc: {  	[sflag:s0] =	ssyncadd.remote.s32 $0x1  }
0xbd: {  	_ =	sfence.sel $0xFFFF  }
0xbe: {  	[dreg:$0x0] =	wrdreg $0xFFFFFFFF;
	(pc) =	sbr.abs _section_cstart, $3  }
0xbf: {  	[dreg:$0x1] =	wrdreg $0xFFFFFFFF  }
0xc0: {  	_ =	task.clear_ibuf [dreg:s6], $0x2FFFF;
	_ =	strace $0x9FFFFFFF  }
0xc1: {  	(tm) =	ssettm $0x7FFFFFFF  }
tec
execute0_lowered:
.L_overlay_start_1:
0x0: {  	(tag) =	ssettag $0x1  }
0x1: {  	s4 =	rddreg [dreg:$0x0];
	s0 =	srdreg.scid  }
0x2: {  	s1 =	stileid.u32;
	s2 =	simm.s32 $0x0;
	s0 =	sand.u32 $0x1, s0  }
0x3: {  	s1 =	sshll.u32 s1, $0xE;
	[smem:$0x7FF] =	sst s2;
	s3 =	sshll.u32 s0, $0xD  }
0x4: {  	s30 =	sadd.s32 $0x8A2800, s4;
	s31 =	sadd.s32 $0x8E2800, s4;
	s1 =	sor.u32 s3, s1  }
0x5: {  	_ =	strace $0x80000047;
	[dreg:$0xa] =	wrdreg s31;
	s3 =	sadd.s32 s30, s1  }
0x6: {  	s13 =	sadd.s32 s31, s1;
	s5 =	sor.u32 $0x200, s1;
	[dreg:$0x2] =	wrdreg s3  }
0x7: {  	[dreg:$0x3] =	wrdreg s13;
	s14 =	sadd.s32 s30, s5  }
0x8: {  	s16 =	sor.u32 $0x400, s1;
	s15 =	sadd.s32 s31, s5;
	[dreg:$0x4] =	wrdreg s14  }
0x9: {  	s17 =	sadd.s32 s30, s16;
	[dreg:$0x5] =	wrdreg s15  }
0xa: {  	s18 =	sadd.s32 s31, s16;
	[dreg:$0x6] =	wrdreg s17  }
0xb: {  	s19 =	sor.u32 $0x600, s1;
	[dreg:$0x7] =	wrdreg s18  }
0xc: {  	s20 =	sadd.s32 s30, s19;
	s6 =	rddreg [dreg:$0x2]  }
0xd: {  	s3 =	sadd.s32 s31, s19;
	[dreg:$0x8] =	wrdreg s20  }
0xe: {  	[dreg:$0x9] =	wrdreg s3;
	s3 =	simm.s32 $0x2  }
0xf: {  	[tilespmem:s2], [sflag:$0x2] =	stream.linear.gather [hbm4b:s6+s2], $0x1000, $0x38;
	[tilespmem:$0x2000] =	vst v63  }
0x10: {  	_ =	swait.ge [sflag:s3], $0x1000  }
0x11: {  	s4 =	sadd.s32 $0x62800, s4;
	[sflag:s3] =	ssyncset.done $0x0  }
0x12: {  	s5 =	simm.s32 $0x1000;
	s6 =	simm.s32 $0x1;
	[sflag:s3] =	ssyncadd.s32 $0xFFFFF000  }
0x13: {  	[tilespmem:s5], [sflag:$0x1] =	stream.indirect.gather [hbm4b:s4+s5], $0x1, s2, s5, $0xb8;
	[tilespmem:$0x2000] =	vst v63  }
0x14: {  	_ =	swait.ge [sflag:s6], $0x1000  }
0x15: {  	[sflag:s6] =	ssyncset.done $0x0  }
0x16: {  	s7 =	rddreg [dreg:$0x3];
	[sflag:s6] =	ssyncadd.s32 $0xFFFFF000  }
0x17: {  	[hbm4b:s7+s2] =	stream.linear.scatter [tilespmem:s5], [sflag:$0x2], $0x1000, $0x38;
	[tilespmem:$0x2000] =	vst v63  }
0x18: {  	_ =	swait.ge [sflag:s3], $0x1000  }
0x19: {  	[sflag:s3] =	ssyncset.done $0x0  }
0x1a: {  	s21 =	rddreg [dreg:$0x4];
	[sflag:s3] =	ssyncadd.s32 $0xFFFFF000  }
0x1b: {  	[tilespmem:s2], [sflag:$0x2] =	stream.linear.gather [hbm4b:s21+s2], $0x1000, $0x38;
	[tilespmem:$0x2000] =	vst v63  }
0x1c: {  	_ =	swait.ge [sflag:s3], $0x1000  }
0x1d: {  	[sflag:s3] =	ssyncset.done $0x0  }
0x1e: {  	[sflag:s3] =	ssyncadd.s32 $0xFFFFF000  }
0x1f: {  	[tilespmem:s5], [sflag:$0x1] =	stream.indirect.gather [hbm4b:s4+s5], $0x1, s2, s5, $0xb8;
	[tilespmem:$0x2000] =	vst v63  }
0x20: {  	_ =	swait.ge [sflag:s6], $0x1000  }
0x21: {  	[sflag:s6] =	ssyncset.done $0x0  }
0x22: {  	s22 =	rddreg [dreg:$0x5];
	[sflag:s6] =	ssyncadd.s32 $0xFFFFF000  }
0x23: {  	[hbm4b:s22+s2] =	stream.linear.scatter [tilespmem:s5], [sflag:$0x2], $0x1000, $0x38;
	[tilespmem:$0x2000] =	vst v63  }
0x24: {  	_ =	swait.ge [sflag:s3], $0x1000  }
0x25: {  	[sflag:s3] =	ssyncset.done $0x0  }
0x26: {  	s23 =	rddreg [dreg:$0x6];
	[sflag:s3] =	ssyncadd.s32 $0xFFFFF000  }
0x27: {  	[tilespmem:s2], [sflag:$0x2] =	stream.linear.gather [hbm4b:s23+s2], $0x1000, $0x38;
	[tilespmem:$0x2000] =	vst v63  }
0x28: {  	_ =	swait.ge [sflag:s3], $0x1000  }
0x29: {  	[sflag:s3] =	ssyncset.done $0x0  }
0x2a: {  	[sflag:s3] =	ssyncadd.s32 $0xFFFFF000  }
0x2b: {  	[tilespmem:s5], [sflag:$0x1] =	stream.indirect.gather [hbm4b:s4+s5], $0x1, s2, s5, $0xb8;
	[tilespmem:$0x2000] =	vst v63  }
0x2c: {  	_ =	swait.ge [sflag:s6], $0x1000  }
0x2d: {  	[sflag:s6] =	ssyncset.done $0x0  }
0x2e: {  	s24 =	rddreg [dreg:$0x7];
	[sflag:s6] =	ssyncadd.s32 $0xFFFFF000  }
0x2f: {  	[hbm4b:s24+s2] =	stream.linear.scatter [tilespmem:s5], [sflag:$0x2], $0x1000, $0x38;
	[tilespmem:$0x2000] =	vst v63  }
0x30: {  	_ =	swait.ge [sflag:s3], $0x1000  }
0x31: {  	[sflag:s3] =	ssyncset.done $0x0  }
0x32: {  	s25 =	rddreg [dreg:$0x8];
	[sflag:s3] =	ssyncadd.s32 $0xFFFFF000  }
0x33: {  	[tilespmem:s2], [sflag:$0x2] =	stream.linear.gather [hbm4b:s25+s2], $0x1000, $0x38;
	[tilespmem:$0x2000] =	vst v63  }
0x34: {  	_ =	swait.ge [sflag:s3], $0x1000  }
0x35: {  	[sflag:s3] =	ssyncset.done $0x0  }
0x36: {  	[sflag:s3] =	ssyncadd.s32 $0xFFFFF000  }
0x37: {  	[tilespmem:s5], [sflag:$0x1] =	stream.indirect.gather [hbm4b:s4+s5], $0x1, s2, s5, $0xb8;
	[tilespmem:$0x2000] =	vst v63  }
0x38: {  	_ =	swait.ge [sflag:s6], $0x1000  }
0x39: {  	[sflag:s6] =	ssyncset.done $0x0  }
0x3a: {  	s26 =	rddreg [dreg:$0x9];
	[sflag:s6] =	ssyncadd.s32 $0xFFFFF000  }
0x3b: {  	[hbm4b:s26+s2] =	stream.linear.scatter [tilespmem:s5], [sflag:$0x2], $0x1000, $0x38;
	[tilespmem:$0x2000] =	vst v63  }
0x3c: {  	_ =	swait.ge [sflag:s3], $0x1000  }
0x3d: {  	s8 =	sor.u32 $0x800, s1;
	[sflag:s3] =	ssyncset.done $0x0  }
0x3e: {  	s7 =	sadd.s32 s30, s8;
	[sflag:s3] =	ssyncadd.s32 $0xFFFFF000  }
0x3f: {  	[tilespmem:s2], [sflag:$0x2] =	stream.linear.gather [hbm4b:s7+s2], $0x1000, $0x38;
	[tilespmem:$0x2000] =	vst v63  }
0x40: {  	_ =	swait.ge [sflag:s3], $0x1000  }
0x41: {  	[sflag:s3] =	ssyncset.done $0x0  }
0x42: {  	[sflag:s3] =	ssyncadd.s32 $0xFFFFF000  }
0x43: {  	[tilespmem:s5], [sflag:$0x1] =	stream.indirect.gather [hbm4b:s4+s5], $0x1, s2, s5, $0xb8;
	[tilespmem:$0x2000] =	vst v63  }
0x44: {  	_ =	swait.ge [sflag:s6], $0x1000  }
0x45: {  	[sflag:s6] =	ssyncset.done $0x0  }
0x46: {  	s8 =	sadd.s32 s31, s8;
	[sflag:s6] =	ssyncadd.s32 $0xFFFFF000  }
0x47: {  	[hbm4b:s8+s2] =	stream.linear.scatter [tilespmem:s5], [sflag:$0x2], $0x1000, $0x38;
	[tilespmem:$0x2000] =	vst v63  }
0x48: {  	_ =	swait.ge [sflag:s3], $0x1000  }
0x49: {  	s10 =	sor.u32 $0xA00, s1;
	[sflag:s3] =	ssyncset.done $0x0  }
0x4a: {  	s9 =	sadd.s32 s30, s10;
	[sflag:s3] =	ssyncadd.s32 $0xFFFFF000  }
0x4b: {  	[tilespmem:s2], [sflag:$0x2] =	stream.linear.gather [hbm4b:s9+s2], $0x1000, $0x38;
	[tilespmem:$0x2000] =	vst v63  }
0x4c: {  	_ =	swait.ge [sflag:s3], $0x1000  }
0x4d: {  	[sflag:s3] =	ssyncset.done $0x0  }
0x4e: {  	[sflag:s3] =	ssyncadd.s32 $0xFFFFF000  }
0x4f: {  	[tilespmem:s5], [sflag:$0x1] =	stream.indirect.gather [hbm4b:s4+s5], $0x1, s2, s5, $0xb8;
	[tilespmem:$0x2000] =	vst v63  }
0x50: {  	_ =	swait.ge [sflag:s6], $0x1000  }
0x51: {  	[sflag:s6] =	ssyncset.done $0x0  }
0x52: {  	s10 =	sadd.s32 s31, s10;
	[sflag:s6] =	ssyncadd.s32 $0xFFFFF000  }
0x53: {  	[hbm4b:s10+s2] =	stream.linear.scatter [tilespmem:s5], [sflag:$0x2], $0x1000, $0x38;
	[tilespmem:$0x2000] =	vst v63  }
0x54: {  	_ =	swait.ge [sflag:s3], $0x1000  }
0x55: {  	s12 =	sor.u32 $0xC00, s1;
	[sflag:s3] =	ssyncset.done $0x0  }
0x56: {  	s11 =	sadd.s32 s30, s12;
	[sflag:s3] =	ssyncadd.s32 $0xFFFFF000  }
0x57: {  	[tilespmem:s2], [sflag:$0x2] =	stream.linear.gather [hbm4b:s11+s2], $0x1000, $0x38;
	[tilespmem:$0x2000] =	vst v63  }
0x58: {  	_ =	swait.ge [sflag:s3], $0x1000  }
0x59: {  	[sflag:s3] =	ssyncset.done $0x0  }
0x5a: {  	[sflag:s3] =	ssyncadd.s32 $0xFFFFF000  }
0x5b: {  	[tilespmem:s5], [sflag:$0x1] =	stream.indirect.gather [hbm4b:s4+s5], $0x1, s2, s5, $0xb8;
	[tilespmem:$0x2000] =	vst v63  }
0x5c: {  	_ =	swait.ge [sflag:s6], $0x1000  }
0x5d: {  	[sflag:s6] =	ssyncset.done $0x0  }
0x5e: {  	s12 =	sadd.s32 s31, s12;
	[sflag:s6] =	ssyncadd.s32 $0xFFFFF000  }
0x5f: {  	[hbm4b:s12+s2] =	stream.linear.scatter [tilespmem:s5], [sflag:$0x2], $0x1000, $0x38;
	[tilespmem:$0x2000] =	vst v63  }
0x60: {  	_ =	swait.ge [sflag:s3], $0x1000  }
0x61: {  	s14 =	sor.u32 $0xE00, s1;
	[sflag:s3] =	ssyncset.done $0x0  }
0x62: {  	s13 =	sadd.s32 s30, s14;
	[sflag:s3] =	ssyncadd.s32 $0xFFFFF000  }
0x63: {  	[tilespmem:s2], [sflag:$0x2] =	stream.linear.gather [hbm4b:s13+s2], $0x1000, $0x38;
	[tilespmem:$0x2000] =	vst v63  }
0x64: {  	_ =	swait.ge [sflag:s3], $0x1000  }
0x65: {  	[sflag:s3] =	ssyncset.done $0x0  }
0x66: {  	[sflag:s3] =	ssyncadd.s32 $0xFFFFF000  }
0x67: {  	[tilespmem:s5], [sflag:$0x1] =	stream.indirect.gather [hbm4b:s4+s5], $0x1, s2, s5, $0xb8;
	[tilespmem:$0x2000] =	vst v63  }
0x68: {  	_ =	swait.ge [sflag:s6], $0x1000  }
0x69: {  	[sflag:s6] =	ssyncset.done $0x0  }
0x6a: {  	s14 =	sadd.s32 s31, s14;
	[sflag:s6] =	ssyncadd.s32 $0xFFFFF000  }
0x6b: {  	[hbm4b:s14+s2] =	stream.linear.scatter [tilespmem:s5], [sflag:$0x2], $0x1000, $0x38;
	[tilespmem:$0x2000] =	vst v63  }
0x6c: {  	_ =	swait.ge [sflag:s3], $0x1000  }
0x6d: {  	s16 =	sor.u32 $0x1000, s1;
	[sflag:s3] =	ssyncset.done $0x0  }
0x6e: {  	s15 =	sadd.s32 s30, s16;
	[sflag:s3] =	ssyncadd.s32 $0xFFFFF000  }
0x6f: {  	[tilespmem:s2], [sflag:$0x2] =	stream.linear.gather [hbm4b:s15+s2], $0x1000, $0x38;
	[tilespmem:$0x2000] =	vst v63  }
0x70: {  	_ =	swait.ge [sflag:s3], $0x1000  }
0x71: {  	[sflag:s3] =	ssyncset.done $0x0  }
0x72: {  	[sflag:s3] =	ssyncadd.s32 $0xFFFFF000  }
0x73: {  	[tilespmem:s5], [sflag:$0x1] =	stream.indirect.gather [hbm4b:s4+s5], $0x1, s2, s5, $0xb8;
	[tilespmem:$0x2000] =	vst v63  }
0x74: {  	_ =	swait.ge [sflag:s6], $0x1000  }
0x75: {  	[sflag:s6] =	ssyncset.done $0x0  }
0x76: {  	s16 =	sadd.s32 s31, s16;
	[sflag:s6] =	ssyncadd.s32 $0xFFFFF000  }
0x77: {  	[hbm4b:s16+s2] =	stream.linear.scatter [tilespmem:s5], [sflag:$0x2], $0x1000, $0x38;
	[tilespmem:$0x2000] =	vst v63  }
0x78: {  	_ =	swait.ge [sflag:s3], $0x1000  }
0x79: {  	s18 =	sor.u32 $0x1200, s1;
	[sflag:s3] =	ssyncset.done $0x0  }
0x7a: {  	s17 =	sadd.s32 s30, s18;
	[sflag:s3] =	ssyncadd.s32 $0xFFFFF000  }
0x7b: {  	[tilespmem:s2], [sflag:$0x2] =	stream.linear.gather [hbm4b:s17+s2], $0x1000, $0x38;
	[tilespmem:$0x2000] =	vst v63  }
0x7c: {  	_ =	swait.ge [sflag:s3], $0x1000  }
0x7d: {  	[sflag:s3] =	ssyncset.done $0x0  }
0x7e: {  	[sflag:s3] =	ssyncadd.s32 $0xFFFFF000  }
0x7f: {  	[tilespmem:s5], [sflag:$0x1] =	stream.indirect.gather [hbm4b:s4+s5], $0x1, s2, s5, $0xb8;
	[tilespmem:$0x2000] =	vst v63  }
0x80: {  	_ =	swait.ge [sflag:s6], $0x1000  }
0x81: {  	[sflag:s6] =	ssyncset.done $0x0  }
0x82: {  	s18 =	sadd.s32 s31, s18;
	[sflag:s6] =	ssyncadd.s32 $0xFFFFF000  }
0x83: {  	[hbm4b:s18+s2] =	stream.linear.scatter [tilespmem:s5], [sflag:$0x2], $0x1000, $0x38;
	[tilespmem:$0x2000] =	vst v63  }
0x84: {  	_ =	swait.ge [sflag:s3], $0x1000  }
0x85: {  	s20 =	sor.u32 $0x1400, s1;
	[sflag:s3] =	ssyncset.done $0x0  }
0x86: {  	s19 =	sadd.s32 s30, s20;
	[sflag:s3] =	ssyncadd.s32 $0xFFFFF000  }
0x87: {  	[tilespmem:s2], [sflag:$0x2] =	stream.linear.gather [hbm4b:s19+s2], $0x1000, $0x38;
	[tilespmem:$0x2000] =	vst v63  }
0x88: {  	_ =	swait.ge [sflag:s3], $0x1000  }
0x89: {  	[sflag:s3] =	ssyncset.done $0x0  }
0x8a: {  	[sflag:s3] =	ssyncadd.s32 $0xFFFFF000  }
0x8b: {  	[tilespmem:s5], [sflag:$0x1] =	stream.indirect.gather [hbm4b:s4+s5], $0x1, s2, s5, $0xb8;
	[tilespmem:$0x2000] =	vst v63  }
0x8c: {  	_ =	swait.ge [sflag:s6], $0x1000  }
0x8d: {  	[sflag:s6] =	ssyncset.done $0x0  }
0x8e: {  	s20 =	sadd.s32 s31, s20;
	[sflag:s6] =	ssyncadd.s32 $0xFFFFF000  }
0x8f: {  	[hbm4b:s20+s2] =	stream.linear.scatter [tilespmem:s5], [sflag:$0x2], $0x1000, $0x38;
	[tilespmem:$0x2000] =	vst v63  }
0x90: {  	_ =	swait.ge [sflag:s3], $0x1000  }
0x91: {  	s22 =	sor.u32 $0x1600, s1;
	[sflag:s3] =	ssyncset.done $0x0  }
0x92: {  	s21 =	sadd.s32 s30, s22;
	[sflag:s3] =	ssyncadd.s32 $0xFFFFF000  }
0x93: {  	[tilespmem:s2], [sflag:$0x2] =	stream.linear.gather [hbm4b:s21+s2], $0x1000, $0x38;
	[tilespmem:$0x2000] =	vst v63  }
0x94: {  	_ =	swait.ge [sflag:s3], $0x1000  }
0x95: {  	[sflag:s3] =	ssyncset.done $0x0  }
0x96: {  	[sflag:s3] =	ssyncadd.s32 $0xFFFFF000  }
0x97: {  	[tilespmem:s5], [sflag:$0x1] =	stream.indirect.gather [hbm4b:s4+s5], $0x1, s2, s5, $0xb8;
	[tilespmem:$0x2000] =	vst v63  }
0x98: {  	_ =	swait.ge [sflag:s6], $0x1000  }
0x99: {  	[sflag:s6] =	ssyncset.done $0x0  }
0x9a: {  	s22 =	sadd.s32 s31, s22;
	[sflag:s6] =	ssyncadd.s32 $0xFFFFF000  }
0x9b: {  	[hbm4b:s22+s2] =	stream.linear.scatter [tilespmem:s5], [sflag:$0x2], $0x1000, $0x38;
	[tilespmem:$0x2000] =	vst v63  }
0x9c: {  	_ =	swait.ge [sflag:s3], $0x1000  }
0x9d: {  	s24 =	sor.u32 $0x1800, s1;
	[sflag:s3] =	ssyncset.done $0x0  }
0x9e: {  	s23 =	sadd.s32 s30, s24;
	[sflag:s3] =	ssyncadd.s32 $0xFFFFF000  }
0x9f: {  	[tilespmem:s2], [sflag:$0x2] =	stream.linear.gather [hbm4b:s23+s2], $0x1000, $0x38;
	[tilespmem:$0x2000] =	vst v63  }
0xa0: {  	_ =	swait.ge [sflag:s3], $0x1000  }
0xa1: {  	[sflag:s3] =	ssyncset.done $0x0  }
0xa2: {  	[sflag:s3] =	ssyncadd.s32 $0xFFFFF000  }
0xa3: {  	[tilespmem:s5], [sflag:$0x1] =	stream.indirect.gather [hbm4b:s4+s5], $0x1, s2, s5, $0xb8;
	[tilespmem:$0x2000] =	vst v63  }
0xa4: {  	_ =	swait.ge [sflag:s6], $0x1000  }
0xa5: {  	[sflag:s6] =	ssyncset.done $0x0  }
0xa6: {  	s24 =	sadd.s32 s31, s24;
	[sflag:s6] =	ssyncadd.s32 $0xFFFFF000  }
0xa7: {  	[hbm4b:s24+s2] =	stream.linear.scatter [tilespmem:s5], [sflag:$0x2], $0x1000, $0x38;
	[tilespmem:$0x2000] =	vst v63  }
0xa8: {  	_ =	swait.ge [sflag:s3], $0x1000  }
0xa9: {  	s26 =	sor.u32 $0x1A00, s1;
	[sflag:s3] =	ssyncset.done $0x0  }
0xaa: {  	s25 =	sadd.s32 s30, s26;
	[sflag:s3] =	ssyncadd.s32 $0xFFFFF000  }
0xab: {  	[tilespmem:s2], [sflag:$0x2] =	stream.linear.gather [hbm4b:s25+s2], $0x1000, $0x38;
	[tilespmem:$0x2000] =	vst v63  }
0xac: {  	_ =	swait.ge [sflag:s3], $0x1000  }
0xad: {  	[sflag:s3] =	ssyncset.done $0x0  }
0xae: {  	[sflag:s3] =	ssyncadd.s32 $0xFFFFF000  }
0xaf: {  	[tilespmem:s5], [sflag:$0x1] =	stream.indirect.gather [hbm4b:s4+s5], $0x1, s2, s5, $0xb8;
	[tilespmem:$0x2000] =	vst v63  }
0xb0: {  	_ =	swait.ge [sflag:s6], $0x1000  }
0xb1: {  	[sflag:s6] =	ssyncset.done $0x0  }
0xb2: {  	s26 =	sadd.s32 s31, s26;
	[sflag:s6] =	ssyncadd.s32 $0xFFFFF000  }
0xb3: {  	[hbm4b:s26+s2] =	stream.linear.scatter [tilespmem:s5], [sflag:$0x2], $0x1000, $0x38;
	[tilespmem:$0x2000] =	vst v63  }
0xb4: {  	_ =	swait.ge [sflag:s3], $0x1000  }
0xb5: {  	s29 =	sor.u32 $0x1C00, s1;
	[sflag:s3] =	ssyncset.done $0x0  }
0xb6: {  	s28 =	sadd.s32 s30, s29;
	[sflag:s3] =	ssyncadd.s32 $0xFFFFF000  }
0xb7: {  	[tilespmem:s2], [sflag:$0x2] =	stream.linear.gather [hbm4b:s28+s2], $0x1000, $0x38;
	[tilespmem:$0x2000] =	vst v63  }
0xb8: {  	_ =	swait.ge [sflag:s3], $0x1000  }
0xb9: {  	[sflag:s3] =	ssyncset.done $0x0  }
0xba: {  	[sflag:s3] =	ssyncadd.s32 $0xFFFFF000  }
0xbb: {  	[tilespmem:s5], [sflag:$0x1] =	stream.indirect.gather [hbm4b:s4+s5], $0x1, s2, s5, $0xb8;
	[tilespmem:$0x2000] =	vst v63  }
0xbc: {  	_ =	swait.ge [sflag:s6], $0x1000  }
0xbd: {  	[sflag:s6] =	ssyncset.done $0x0  }
0xbe: {  	s29 =	sadd.s32 s31, s29;
	[sflag:s6] =	ssyncadd.s32 $0xFFFFF000  }
0xbf: {  	[hbm4b:s29+s2] =	stream.linear.scatter [tilespmem:s5], [sflag:$0x2], $0x1000, $0x38;
	[tilespmem:$0x2000] =	vst v63  }
0xc0: {  	_ =	swait.ge [sflag:s3], $0x1000  }
0xc1: {  	s0 =	ssub.s32 $0x2, s0;
	s1 =	sor.u32 $0x1E00, s1;
	[sflag:s3] =	ssyncset.done $0x0  }
0xc2: {  	s30 =	sadd.s32 s30, s1;
	s31 =	sshrl.u32 s0, $0x1;
	[sflag:s3] =	ssyncadd.s32 $0xFFFFF000  }
0xc3: {  	[tilespmem:s2], [sflag:$0x2] =	stream.linear.gather [hbm4b:s30+s2], $0x1000, $0x38;
	[tilespmem:$0x2000] =	vst v63  }
0xc4: {  	s0 =	ssub.s32 s0, s31;
	_ =	swait.ge [sflag:s3], $0x1000  }
0xc5: {  	s0 =	smax.u32 s0, $0x1;
	[sflag:s3] =	ssyncset.done $0x0  }
0xc6: {  	p0 =	sne.s32 s0, $0x1;
	[sflag:s3] =	ssyncadd.s32 $0xFFFFF000  }
0xc7: {  	[tilespmem:s5], [sflag:$0x1] =	stream.indirect.gather [hbm4b:s4+s5], $0x1, s2, s5, $0xb8;
	[tilespmem:$0x2000] =	vst v63  }
.Ltmp0:
0xc8: {  	_ =	swait.ge [sflag:s6], $0x1000;
	(pc) =	sbr.rel @!p0 .LBB2_2-.Ltmp0, $4  }
0xc9: {  	[sflag:s6] =	ssyncset.done $0x0;
	s31 =	rddreg [dreg:$0xa]  }
0xca: {  	s31 =	sadd.s32 s31, s1;
	[sflag:s6] =	ssyncadd.s32 $0xFFFFF000  }
0xcb: {  	[hbm4b:s31+s2] =	stream.linear.scatter [tilespmem:s5], [sflag:$0x2], $0x1000, $0x38;
	[tilespmem:$0x2000] =	vst v63  }
0xcc: {  	s0 =	sadd.s32 $0xFFFFFFFF, s0;
	_ =	swait.ge [sflag:s3], $0x1000  }
.LBB2_1:
0xcd: {  	[sflag:s3] =	ssyncset.done $0x0  }
0xce: {  	s1 =	rddreg [dreg:$0x2];
	[sflag:s3] =	ssyncadd.s32 $0xFFFFF000  }
0xcf: {  	[tilespmem:s2], [sflag:$0x2] =	stream.linear.gather [hbm4b:s1+s2], $0x1000, $0x38;
	[tilespmem:$0x2000] =	vst v63  }
0xd0: {  	_ =	swait.ge [sflag:s3], $0x1000  }
0xd1: {  	[sflag:s3] =	ssyncset.done $0x0  }
0xd2: {  	[sflag:s3] =	ssyncadd.s32 $0xFFFFF000  }
0xd3: {  	[tilespmem:s5], [sflag:$0x1] =	stream.indirect.gather [hbm4b:s4+s5], $0x1, s2, s5, $0xb8;
	[tilespmem:$0x2000] =	vst v63  }
0xd4: {  	_ =	swait.ge [sflag:s6], $0x1000  }
0xd5: {  	[sflag:s6] =	ssyncset.done $0x0  }
0xd6: {  	s1 =	rddreg [dreg:$0x3];
	[sflag:s6] =	ssyncadd.s32 $0xFFFFF000  }
0xd7: {  	[hbm4b:s1+s2] =	stream.linear.scatter [tilespmem:s5], [sflag:$0x2], $0x1000, $0x38;
	[tilespmem:$0x2000] =	vst v63  }
0xd8: {  	_ =	swait.ge [sflag:s3], $0x1000  }
0xd9: {  	[sflag:s3] =	ssyncset.done $0x0  }
0xda: {  	s1 =	rddreg [dreg:$0x4];
	[sflag:s3] =	ssyncadd.s32 $0xFFFFF000  }
0xdb: {  	[tilespmem:s2], [sflag:$0x2] =	stream.linear.gather [hbm4b:s1+s2], $0x1000, $0x38;
	[tilespmem:$0x2000] =	vst v63  }
0xdc: {  	_ =	swait.ge [sflag:s3], $0x1000  }
0xdd: {  	[sflag:s3] =	ssyncset.done $0x0  }
0xde: {  	[sflag:s3] =	ssyncadd.s32 $0xFFFFF000  }
0xdf: {  	[tilespmem:s5], [sflag:$0x1] =	stream.indirect.gather [hbm4b:s4+s5], $0x1, s2, s5, $0xb8;
	[tilespmem:$0x2000] =	vst v63  }
0xe0: {  	_ =	swait.ge [sflag:s6], $0x1000  }
0xe1: {  	[sflag:s6] =	ssyncset.done $0x0  }
0xe2: {  	s1 =	rddreg [dreg:$0x5];
	[sflag:s6] =	ssyncadd.s32 $0xFFFFF000  }
0xe3: {  	[hbm4b:s1+s2] =	stream.linear.scatter [tilespmem:s5], [sflag:$0x2], $0x1000, $0x38;
	[tilespmem:$0x2000] =	vst v63  }
0xe4: {  	_ =	swait.ge [sflag:s3], $0x1000  }
0xe5: {  	[sflag:s3] =	ssyncset.done $0x0  }
0xe6: {  	s1 =	rddreg [dreg:$0x6];
	[sflag:s3] =	ssyncadd.s32 $0xFFFFF000  }
0xe7: {  	[tilespmem:s2], [sflag:$0x2] =	stream.linear.gather [hbm4b:s1+s2], $0x1000, $0x38;
	[tilespmem:$0x2000] =	vst v63  }
0xe8: {  	_ =	swait.ge [sflag:s3], $0x1000  }
0xe9: {  	[sflag:s3] =	ssyncset.done $0x0  }
0xea: {  	[sflag:s3] =	ssyncadd.s32 $0xFFFFF000  }
0xeb: {  	[tilespmem:s5], [sflag:$0x1] =	stream.indirect.gather [hbm4b:s4+s5], $0x1, s2, s5, $0xb8;
	[tilespmem:$0x2000] =	vst v63  }
0xec: {  	_ =	swait.ge [sflag:s6], $0x1000  }
0xed: {  	[sflag:s6] =	ssyncset.done $0x0  }
0xee: {  	s1 =	rddreg [dreg:$0x7];
	[sflag:s6] =	ssyncadd.s32 $0xFFFFF000  }
0xef: {  	[hbm4b:s1+s2] =	stream.linear.scatter [tilespmem:s5], [sflag:$0x2], $0x1000, $0x38;
	[tilespmem:$0x2000] =	vst v63  }
0xf0: {  	_ =	swait.ge [sflag:s3], $0x1000  }
0xf1: {  	[sflag:s3] =	ssyncset.done $0x0  }
0xf2: {  	s1 =	rddreg [dreg:$0x8];
	[sflag:s3] =	ssyncadd.s32 $0xFFFFF000  }
0xf3: {  	[tilespmem:s2], [sflag:$0x2] =	stream.linear.gather [hbm4b:s1+s2], $0x1000, $0x38;
	[tilespmem:$0x2000] =	vst v63  }
0xf4: {  	_ =	swait.ge [sflag:s3], $0x1000  }
0xf5: {  	[sflag:s3] =	ssyncset.done $0x0  }
0xf6: {  	[sflag:s3] =	ssyncadd.s32 $0xFFFFF000  }
0xf7: {  	[tilespmem:s5], [sflag:$0x1] =	stream.indirect.gather [hbm4b:s4+s5], $0x1, s2, s5, $0xb8;
	[tilespmem:$0x2000] =	vst v63  }
0xf8: {  	_ =	swait.ge [sflag:s6], $0x1000  }
0xf9: {  	[sflag:s6] =	ssyncset.done $0x0  }
0xfa: {  	s1 =	rddreg [dreg:$0x9];
	[sflag:s6] =	ssyncadd.s32 $0xFFFFF000  }
0xfb: {  	[hbm4b:s1+s2] =	stream.linear.scatter [tilespmem:s5], [sflag:$0x2], $0x1000, $0x38;
	[tilespmem:$0x2000] =	vst v63  }
0xfc: {  	_ =	swait.ge [sflag:s3], $0x1000  }
0xfd: {  	[sflag:s3] =	ssyncset.done $0x0  }
0xfe: {  	[sflag:s3] =	ssyncadd.s32 $0xFFFFF000  }
0xff: {  	[tilespmem:s2], [sflag:$0x2] =	stream.linear.gather [hbm4b:s7+s2], $0x1000, $0x38;
	[tilespmem:$0x2000] =	vst v63  }
0x100: {  	_ =	swait.ge [sflag:s3], $0x1000  }
0x101: {  	[sflag:s3] =	ssyncset.done $0x0  }
0x102: {  	[sflag:s3] =	ssyncadd.s32 $0xFFFFF000  }
0x103: {  	[tilespmem:s5], [sflag:$0x1] =	stream.indirect.gather [hbm4b:s4+s5], $0x1, s2, s5, $0xb8;
	[tilespmem:$0x2000] =	vst v63  }
0x104: {  	_ =	swait.ge [sflag:s6], $0x1000  }
0x105: {  	[sflag:s6] =	ssyncset.done $0x0  }
0x106: {  	[sflag:s6] =	ssyncadd.s32 $0xFFFFF000  }
0x107: {  	[hbm4b:s8+s2] =	stream.linear.scatter [tilespmem:s5], [sflag:$0x2], $0x1000, $0x38;
	[tilespmem:$0x2000] =	vst v63  }
0x108: {  	_ =	swait.ge [sflag:s3], $0x1000  }
0x109: {  	[sflag:s3] =	ssyncset.done $0x0  }
0x10a: {  	[sflag:s3] =	ssyncadd.s32 $0xFFFFF000  }
0x10b: {  	[tilespmem:s2], [sflag:$0x2] =	stream.linear.gather [hbm4b:s9+s2], $0x1000, $0x38;
	[tilespmem:$0x2000] =	vst v63  }
0x10c: {  	_ =	swait.ge [sflag:s3], $0x1000  }
0x10d: {  	[sflag:s3] =	ssyncset.done $0x0  }
0x10e: {  	[sflag:s3] =	ssyncadd.s32 $0xFFFFF000  }
0x10f: {  	[tilespmem:s5], [sflag:$0x1] =	stream.indirect.gather [hbm4b:s4+s5], $0x1, s2, s5, $0xb8;
	[tilespmem:$0x2000] =	vst v63  }
0x110: {  	_ =	swait.ge [sflag:s6], $0x1000  }
0x111: {  	[sflag:s6] =	ssyncset.done $0x0  }
0x112: {  	[sflag:s6] =	ssyncadd.s32 $0xFFFFF000  }
0x113: {  	[hbm4b:s10+s2] =	stream.linear.scatter [tilespmem:s5], [sflag:$0x2], $0x1000, $0x38;
	[tilespmem:$0x2000] =	vst v63  }
0x114: {  	_ =	swait.ge [sflag:s3], $0x1000  }
0x115: {  	[sflag:s3] =	ssyncset.done $0x0  }
0x116: {  	[sflag:s3] =	ssyncadd.s32 $0xFFFFF000  }
0x117: {  	[tilespmem:s2], [sflag:$0x2] =	stream.linear.gather [hbm4b:s11+s2], $0x1000, $0x38;
	[tilespmem:$0x2000] =	vst v63  }
0x118: {  	_ =	swait.ge [sflag:s3], $0x1000  }
0x119: {  	[sflag:s3] =	ssyncset.done $0x0  }
0x11a: {  	[sflag:s3] =	ssyncadd.s32 $0xFFFFF000  }
0x11b: {  	[tilespmem:s5], [sflag:$0x1] =	stream.indirect.gather [hbm4b:s4+s5], $0x1, s2, s5, $0xb8;
	[tilespmem:$0x2000] =	vst v63  }
0x11c: {  	_ =	swait.ge [sflag:s6], $0x1000  }
0x11d: {  	[sflag:s6] =	ssyncset.done $0x0  }
0x11e: {  	[sflag:s6] =	ssyncadd.s32 $0xFFFFF000  }
0x11f: {  	[hbm4b:s12+s2] =	stream.linear.scatter [tilespmem:s5], [sflag:$0x2], $0x1000, $0x38;
	[tilespmem:$0x2000] =	vst v63  }
0x120: {  	_ =	swait.ge [sflag:s3], $0x1000  }
0x121: {  	[sflag:s3] =	ssyncset.done $0x0  }
0x122: {  	[sflag:s3] =	ssyncadd.s32 $0xFFFFF000  }
0x123: {  	[tilespmem:s2], [sflag:$0x2] =	stream.linear.gather [hbm4b:s13+s2], $0x1000, $0x38;
	[tilespmem:$0x2000] =	vst v63  }
0x124: {  	_ =	swait.ge [sflag:s3], $0x1000  }
0x125: {  	[sflag:s3] =	ssyncset.done $0x0  }
0x126: {  	[sflag:s3] =	ssyncadd.s32 $0xFFFFF000  }
0x127: {  	[tilespmem:s5], [sflag:$0x1] =	stream.indirect.gather [hbm4b:s4+s5], $0x1, s2, s5, $0xb8;
	[tilespmem:$0x2000] =	vst v63  }
0x128: {  	_ =	swait.ge [sflag:s6], $0x1000  }
0x129: {  	[sflag:s6] =	ssyncset.done $0x0  }
0x12a: {  	[sflag:s6] =	ssyncadd.s32 $0xFFFFF000  }
0x12b: {  	[hbm4b:s14+s2] =	stream.linear.scatter [tilespmem:s5], [sflag:$0x2], $0x1000, $0x38;
	[tilespmem:$0x2000] =	vst v63  }
0x12c: {  	_ =	swait.ge [sflag:s3], $0x1000  }
0x12d: {  	[sflag:s3] =	ssyncset.done $0x0  }
0x12e: {  	[sflag:s3] =	ssyncadd.s32 $0xFFFFF000  }
0x12f: {  	[tilespmem:s2], [sflag:$0x2] =	stream.linear.gather [hbm4b:s15+s2], $0x1000, $0x38;
	[tilespmem:$0x2000] =	vst v63  }
0x130: {  	_ =	swait.ge [sflag:s3], $0x1000  }
0x131: {  	[sflag:s3] =	ssyncset.done $0x0  }
0x132: {  	[sflag:s3] =	ssyncadd.s32 $0xFFFFF000  }
0x133: {  	[tilespmem:s5], [sflag:$0x1] =	stream.indirect.gather [hbm4b:s4+s5], $0x1, s2, s5, $0xb8;
	[tilespmem:$0x2000] =	vst v63  }
0x134: {  	_ =	swait.ge [sflag:s6], $0x1000  }
0x135: {  	[sflag:s6] =	ssyncset.done $0x0  }
0x136: {  	[sflag:s6] =	ssyncadd.s32 $0xFFFFF000  }
0x137: {  	[hbm4b:s16+s2] =	stream.linear.scatter [tilespmem:s5], [sflag:$0x2], $0x1000, $0x38;
	[tilespmem:$0x2000] =	vst v63  }
0x138: {  	_ =	swait.ge [sflag:s3], $0x1000  }
0x139: {  	[sflag:s3] =	ssyncset.done $0x0  }
0x13a: {  	[sflag:s3] =	ssyncadd.s32 $0xFFFFF000  }
0x13b: {  	[tilespmem:s2], [sflag:$0x2] =	stream.linear.gather [hbm4b:s17+s2], $0x1000, $0x38;
	[tilespmem:$0x2000] =	vst v63  }
0x13c: {  	_ =	swait.ge [sflag:s3], $0x1000  }
0x13d: {  	[sflag:s3] =	ssyncset.done $0x0  }
0x13e: {  	[sflag:s3] =	ssyncadd.s32 $0xFFFFF000  }
0x13f: {  	[tilespmem:s5], [sflag:$0x1] =	stream.indirect.gather [hbm4b:s4+s5], $0x1, s2, s5, $0xb8;
	[tilespmem:$0x2000] =	vst v63  }
0x140: {  	_ =	swait.ge [sflag:s6], $0x1000  }
0x141: {  	[sflag:s6] =	ssyncset.done $0x0  }
0x142: {  	[sflag:s6] =	ssyncadd.s32 $0xFFFFF000  }
0x143: {  	[hbm4b:s18+s2] =	stream.linear.scatter [tilespmem:s5], [sflag:$0x2], $0x1000, $0x38;
	[tilespmem:$0x2000] =	vst v63  }
0x144: {  	_ =	swait.ge [sflag:s3], $0x1000  }
0x145: {  	[sflag:s3] =	ssyncset.done $0x0  }
0x146: {  	[sflag:s3] =	ssyncadd.s32 $0xFFFFF000  }
0x147: {  	[tilespmem:s2], [sflag:$0x2] =	stream.linear.gather [hbm4b:s19+s2], $0x1000, $0x38;
	[tilespmem:$0x2000] =	vst v63  }
0x148: {  	_ =	swait.ge [sflag:s3], $0x1000  }
0x149: {  	[sflag:s3] =	ssyncset.done $0x0  }
0x14a: {  	[sflag:s3] =	ssyncadd.s32 $0xFFFFF000  }
0x14b: {  	[tilespmem:s5], [sflag:$0x1] =	stream.indirect.gather [hbm4b:s4+s5], $0x1, s2, s5, $0xb8;
	[tilespmem:$0x2000] =	vst v63  }
0x14c: {  	_ =	swait.ge [sflag:s6], $0x1000  }
0x14d: {  	[sflag:s6] =	ssyncset.done $0x0  }
0x14e: {  	[sflag:s6] =	ssyncadd.s32 $0xFFFFF000  }
0x14f: {  	[hbm4b:s20+s2] =	stream.linear.scatter [tilespmem:s5], [sflag:$0x2], $0x1000, $0x38;
	[tilespmem:$0x2000] =	vst v63  }
0x150: {  	_ =	swait.ge [sflag:s3], $0x1000  }
0x151: {  	[sflag:s3] =	ssyncset.done $0x0  }
0x152: {  	[sflag:s3] =	ssyncadd.s32 $0xFFFFF000  }
0x153: {  	[tilespmem:s2], [sflag:$0x2] =	stream.linear.gather [hbm4b:s21+s2], $0x1000, $0x38;
	[tilespmem:$0x2000] =	vst v63  }
0x154: {  	_ =	swait.ge [sflag:s3], $0x1000  }
0x155: {  	[sflag:s3] =	ssyncset.done $0x0  }
0x156: {  	[sflag:s3] =	ssyncadd.s32 $0xFFFFF000  }
0x157: {  	[tilespmem:s5], [sflag:$0x1] =	stream.indirect.gather [hbm4b:s4+s5], $0x1, s2, s5, $0xb8;
	[tilespmem:$0x2000] =	vst v63  }
0x158: {  	_ =	swait.ge [sflag:s6], $0x1000  }
0x159: {  	[sflag:s6] =	ssyncset.done $0x0  }
0x15a: {  	[sflag:s6] =	ssyncadd.s32 $0xFFFFF000  }
0x15b: {  	[hbm4b:s22+s2] =	stream.linear.scatter [tilespmem:s5], [sflag:$0x2], $0x1000, $0x38;
	[tilespmem:$0x2000] =	vst v63  }
0x15c: {  	_ =	swait.ge [sflag:s3], $0x1000  }
0x15d: {  	[sflag:s3] =	ssyncset.done $0x0  }
0x15e: {  	[sflag:s3] =	ssyncadd.s32 $0xFFFFF000  }
0x15f: {  	[tilespmem:s2], [sflag:$0x2] =	stream.linear.gather [hbm4b:s23+s2], $0x1000, $0x38;
	[tilespmem:$0x2000] =	vst v63  }
0x160: {  	_ =	swait.ge [sflag:s3], $0x1000  }
0x161: {  	[sflag:s3] =	ssyncset.done $0x0  }
0x162: {  	[sflag:s3] =	ssyncadd.s32 $0xFFFFF000  }
0x163: {  	[tilespmem:s5], [sflag:$0x1] =	stream.indirect.gather [hbm4b:s4+s5], $0x1, s2, s5, $0xb8;
	[tilespmem:$0x2000] =	vst v63  }
0x164: {  	_ =	swait.ge [sflag:s6], $0x1000  }
0x165: {  	[sflag:s6] =	ssyncset.done $0x0  }
0x166: {  	[sflag:s6] =	ssyncadd.s32 $0xFFFFF000  }
0x167: {  	[hbm4b:s24+s2] =	stream.linear.scatter [tilespmem:s5], [sflag:$0x2], $0x1000, $0x38;
	[tilespmem:$0x2000] =	vst v63  }
0x168: {  	_ =	swait.ge [sflag:s3], $0x1000  }
0x169: {  	[sflag:s3] =	ssyncset.done $0x0  }
0x16a: {  	[sflag:s3] =	ssyncadd.s32 $0xFFFFF000  }
0x16b: {  	[tilespmem:s2], [sflag:$0x2] =	stream.linear.gather [hbm4b:s25+s2], $0x1000, $0x38;
	[tilespmem:$0x2000] =	vst v63  }
0x16c: {  	_ =	swait.ge [sflag:s3], $0x1000  }
0x16d: {  	[sflag:s3] =	ssyncset.done $0x0  }
0x16e: {  	[sflag:s3] =	ssyncadd.s32 $0xFFFFF000  }
0x16f: {  	[tilespmem:s5], [sflag:$0x1] =	stream.indirect.gather [hbm4b:s4+s5], $0x1, s2, s5, $0xb8;
	[tilespmem:$0x2000] =	vst v63  }
0x170: {  	_ =	swait.ge [sflag:s6], $0x1000  }
0x171: {  	[sflag:s6] =	ssyncset.done $0x0  }
0x172: {  	[sflag:s6] =	ssyncadd.s32 $0xFFFFF000  }
0x173: {  	[hbm4b:s26+s2] =	stream.linear.scatter [tilespmem:s5], [sflag:$0x2], $0x1000, $0x38;
	[tilespmem:$0x2000] =	vst v63  }
0x174: {  	_ =	swait.ge [sflag:s3], $0x1000  }
0x175: {  	[sflag:s3] =	ssyncset.done $0x0  }
0x176: {  	[sflag:s3] =	ssyncadd.s32 $0xFFFFF000  }
0x177: {  	[tilespmem:s2], [sflag:$0x2] =	stream.linear.gather [hbm4b:s28+s2], $0x1000, $0x38;
	[tilespmem:$0x2000] =	vst v63  }
0x178: {  	_ =	swait.ge [sflag:s3], $0x1000  }
0x179: {  	[sflag:s3] =	ssyncset.done $0x0  }
0x17a: {  	[sflag:s3] =	ssyncadd.s32 $0xFFFFF000  }
0x17b: {  	[tilespmem:s5], [sflag:$0x1] =	stream.indirect.gather [hbm4b:s4+s5], $0x1, s2, s5, $0xb8;
	[tilespmem:$0x2000] =	vst v63  }
0x17c: {  	_ =	swait.ge [sflag:s6], $0x1000  }
0x17d: {  	[sflag:s6] =	ssyncset.done $0x0  }
0x17e: {  	[sflag:s6] =	ssyncadd.s32 $0xFFFFF000  }
0x17f: {  	[hbm4b:s29+s2] =	stream.linear.scatter [tilespmem:s5], [sflag:$0x2], $0x1000, $0x38;
	[tilespmem:$0x2000] =	vst v63  }
0x180: {  	_ =	swait.ge [sflag:s3], $0x1000  }
0x181: {  	[sflag:s3] =	ssyncset.done $0x0  }
0x182: {  	[sflag:s3] =	ssyncadd.s32 $0xFFFFF000  }
0x183: {  	[tilespmem:s2], [sflag:$0x2] =	stream.linear.gather [hbm4b:s30+s2], $0x1000, $0x38;
	[tilespmem:$0x2000] =	vst v63  }
0x184: {  	_ =	swait.ge [sflag:s3], $0x1000  }
0x185: {  	[sflag:s3] =	ssyncset.done $0x0  }
0x186: {  	p0 =	sne.s32 s0, $0x1;
	[sflag:s3] =	ssyncadd.s32 $0xFFFFF000  }
0x187: {  	[tilespmem:s5], [sflag:$0x1] =	stream.indirect.gather [hbm4b:s4+s5], $0x1, s2, s5, $0xb8;
	[tilespmem:$0x2000] =	vst v63  }
.Ltmp1:
0x188: {  	_ =	swait.ge [sflag:s6], $0x1000;
	(pc) =	sbr.rel @p0 .LBB2_1-.Ltmp1, $4  }
0x189: {  	[sflag:s6] =	ssyncset.done $0x0  }
0x18a: {  	[sflag:s6] =	ssyncadd.s32 $0xFFFFF000  }
0x18b: {  	[hbm4b:s31+s2] =	stream.linear.scatter [tilespmem:s5], [sflag:$0x2], $0x1000, $0x38;
	[tilespmem:$0x2000] =	vst v63  }
0x18c: {  	s0 =	sadd.s32 $0xFFFFFFFF, s0;
	_ =	swait.ge [sflag:s3], $0x1000  }
.LBB2_2:
0x18d: {  	[sflag:s3] =	ssyncset.done $0x0  }
0x18e: {  	[sflag:s3] =	ssyncadd.s32 $0xFFFFF000  }
0x18f: {  	_ =	sfence.sel $0x180000  }
0x190: {  	[bflag:$0x0] =	sbarrier.arrive $0xFFFF  }
0x191: {  	_ =	strace $0x90000047  }
0x192: {  	s0 =	stileid.u32;
	[bflag:$0x2] =	sbarrier.arrive $0xFFFF  }
0x193: {  	p0 =	sne.s32 s0, $0x0;
	s0 =	rddreg [dreg:$0x1]  }
0x194: {  	s0 =	sadd.s32 @!p0 $0x100000, s0  }
0x195: {  	[sflag:s0] =	ssyncadd.tile.s32 @!p0 $0x1;
	_ =	shalt  }
.Lfunc_end2:
_tile_overlayer_lowered:
.L_overlay_start_2:
0x196: {  	(tag) =	ssettag $0x2  }
0x197: {  	s0 =	rddreg [dreg:$0x0];
	s2 =	stileid.u32  }
0x198: {  	s1 =	rddreg [dreg:$0x1];
	p0 =	sne.s32 s2, $0x0  }
0x199: {  	s3 =	rddreg [dreg:$0x2];
	[bflag:$0x3] =	sbarrier.arrive $0xFFFF;
	s2 =	simm.s32 @!p0 $0x1C02  }
0x19a: {  	[timem:s3], [sflag:s2] =	dma.local @!p0 [hbm:s0], s1  }
0x19b: {  	s0 =	simm.s32 @!p0 $0x2  }
0x19c: {  	_ =	swait.ge @!p0 [sflag:s0], s1  }
0x19d: {  	s1 =	ssub.s32 @!p0 $0x0, s1;
	[sflag:s0] =	ssyncset.done @!p0 $0x0  }
0x19e: {  	[sflag:s0] =	ssyncadd.s32 @!p0 s1  }
0x19f: {  	[bflag:$0x3] =	sbarrier.arrive $0xFFFF  }
0x1a0: {  	_ =	shalt  }

</sc_bundles>
